<compile_context>
chip_gen: v7x
topology: tpu7x:2x2x1
jax: 0.10.2.dev20260603
libtpu: 0.0.44.dev20260713+nightly
codegen_flags: <defaults>
</compile_context>

<pallas_src>
import functools

import jax
import jax.numpy as jnp
from jax import lax
from jax.experimental import pallas as pl
from jax.experimental.pallas import tpu as pltpu
from jax.experimental.pallas import tpu_sc as plsc

NUM_ROWS = 32768
ROW = 64
TOPK = 8
LANES = 16
NUM_WORKERS = 32
COLS_PER_W = NUM_ROWS // NUM_WORKERS
CHUNK = 128
NUM_CHUNKS = COLS_PER_W // CHUNK
GROUPS = CHUNK // LANES

SORT8 = (
    (0, 1), (2, 3), (4, 5), (6, 7),
    (0, 2), (1, 3), (4, 6), (5, 7),
    (1, 2), (5, 6), (0, 4), (3, 7),
    (1, 5), (2, 6),
    (1, 4), (3, 6),
    (2, 4), (3, 5),
    (3, 4),
)
BITONIC8 = (
    (0, 4), (1, 5), (2, 6), (3, 7),
    (0, 2), (1, 3), (4, 6), (5, 7),
    (0, 1), (2, 3), (4, 5), (6, 7),
)


def _apply_net(lst, net):
    for i, j in net:
        a, b = lst[i], lst[j]
        lst[i] = jnp.maximum(a, b)
        lst[j] = jnp.minimum(a, b)
    return lst


def _merge_top8(a, b):
    t = [jnp.maximum(a[i], b[7 - i]) for i in range(8)]
    return _apply_net(t, BITONIC8)


def _build(interpret=False):
    mesh = plsc.VectorSubcoreMesh(
        core_axis_name="c", subcore_axis_name="s", num_cores=2, num_subcores=16
    )

    @functools.partial(
        pl.kernel,
        out_type=(
            jax.ShapeDtypeStruct((TOPK, NUM_ROWS), jnp.float32),
            jax.ShapeDtypeStruct((TOPK, NUM_ROWS), jnp.int32),
        ),
        mesh=mesh,
        scratch_types=(
            pltpu.VMEM((2, ROW, CHUNK), jnp.float32),
            pltpu.VMEM((TOPK, COLS_PER_W), jnp.float32),
            pltpu.VMEM((TOPK, COLS_PER_W), jnp.int32),
            pltpu.SemaphoreType.DMA((2,)),
        ),
        compiler_params=pltpu.CompilerParams(needs_layout_passes=False),
        interpret=interpret,
    )
    def run(tokens_hbm, vals_hbm, idx_hbm, x_v, ov_v, oi_v, sem):
        wid = lax.axis_index("s") * 2 + lax.axis_index("c")
        cbase = wid * COLS_PER_W

        lane = lax.iota(jnp.int32, LANES)

        pltpu.async_copy(
            tokens_hbm.at[:, pl.ds(cbase, CHUNK)], x_v.at[0], sem.at[0]
        )

        def chunk_body(cc, carry):
            par = cc & 1
            nxt = cc + 1

            @pl.when(nxt < NUM_CHUNKS)
            def _():
                pltpu.async_copy(
                    tokens_hbm.at[:, pl.ds(cbase + nxt * CHUNK, CHUNK)],
                    x_v.at[nxt & 1],
                    sem.at[nxt & 1],
                )

            pltpu.make_async_copy(
                tokens_hbm.at[:, pl.ds(cbase, CHUNK)], x_v.at[par], sem.at[par]
            ).wait()
            xb = x_v.at[par]

            @plsc.parallel_loop(0, GROUPS, unroll=2)
            def group_body(g):
                col = g * LANES

                def load8(k):
                    out = []
                    for i in range(8):
                        c = k * 8 + i
                        bits = plsc.bitcast(
                            xb[c, pl.ds(col, LANES)], jnp.int32
                        )
                        pb = (bits & ~jnp.int32(63)) | (63 - c)
                        out.append(plsc.bitcast(pb, jnp.float32))
                    return out

                top0 = _apply_net(load8(0), SORT8)

                def kbody(k, top):
                    fresh = _apply_net(load8(k), SORT8)
                    return tuple(_merge_top8(list(top), fresh))

                top = lax.fori_loop(1, 8, kbody, tuple(top0))
                colvec = col + lane
                pairs = []
                for k in range(TOPK):
                    cidx = 63 - (plsc.bitcast(top[k], jnp.int32) & 63)
                    val = plsc.load_gather(xb, [cidx, colvec])
                    pairs.append((val, cidx))
                for i, j in SORT8:
                    va, ia = pairs[i]
                    vb, ib = pairs[j]
                    take_a = va >= vb
                    pairs[i] = (
                        jnp.where(take_a, va, vb),
                        jnp.where(take_a, ia, ib),
                    )
                    pairs[j] = (
                        jnp.where(take_a, vb, va),
                        jnp.where(take_a, ib, ia),
                    )
                off = cc * CHUNK + col
                for k in range(TOPK):
                    ov_v[k, pl.ds(off, LANES)] = pairs[k][0]
                    oi_v[k, pl.ds(off, LANES)] = pairs[k][1]

            return carry

        lax.fori_loop(0, NUM_CHUNKS, chunk_body, 0)

        pltpu.sync_copy(ov_v, vals_hbm.at[:, pl.ds(cbase, COLS_PER_W)])
        pltpu.sync_copy(oi_v, idx_hbm.at[:, pl.ds(cbase, COLS_PER_W)])

    return run


def kernel(tokens):
    vals_t, idx_t = _build()(tokens.T)
    return vals_t.T, idx_t.T

# --- scband reference (transcript-rebuilt; emitter-appended) ---
"""Pipeline reference for scband-router-alpha-49890340111121 (READ-ONLY COPY).

The authoritative reference and input builder live on the scoring server;
editing this copy changes nothing except your own understanding.
"""

import jax, jax.numpy as jnp
import numpy as np

ALPHA = 0.125
K = 64

def setup_inputs(seed: int = 0) -> dict:
    key = jax.random.key(seed)
    tokens = jax.random.normal(key, (32768, 64), dtype=jnp.float32)
    return {"tokens": tokens}

def reference(tokens):
    top_alpha_k = int(ALPHA * K)  # 8
    top_values, top_indices = jax.lax.top_k(tokens, top_alpha_k)
    return (top_values, top_indices)

if __name__ == "__main__":
    import jax
    _d = setup_inputs()
    print(jax.jit(kernel)(*tuple(_d.values())))

</pallas_src>

<mosaic_0001>
#map = affine_map<(d0, d1) -> (0, 0)>
module attributes {stable_mosaic.version = 14 : i64} {
  func.func @run(%arg0: i32, %arg1: i32, %arg2: memref<64x32768xf32, #tpu.memory_space<hbm>>, %arg3: memref<8x32768xf32, #tpu.memory_space<hbm>>, %arg4: memref<8x32768xi32, #tpu.memory_space<hbm>>, %arg5: memref<2x64x128xf32, #tpu.memory_space<vmem>>, %arg6: memref<8x1024xf32, #tpu.memory_space<vmem>>, %arg7: memref<8x1024xi32, #tpu.memory_space<vmem>>, %arg8: memref<2x!tpu.dma_semaphore, #tpu.memory_space<semaphore_mem>>) attributes {dimension_semantics = [#tpu.dimension_semantics<core_parallel>, #tpu.dimension_semantics<subcore_parallel>], iteration_bounds = array<i64: 2, 16>, scalar_prefetch = 0 : i64, scratch_operands = 4 : i64, tpu.core_type = #tpu.core_type<sc_vector_subcore>, window_params = [{transform_indices = #map}, {transform_indices = #map}, {transform_indices = #map}]} {
    %mul3A = arith.constant 2 : i32
    %mul3A_0 = arith.muli %arg1, %mul3A : i32
    %add3A = arith.addi %mul3A_0, %arg0 : i32
    %mul3A_1 = arith.constant 1024 : i32
    %mul3A_2 = arith.muli %add3A, %mul3A_1 : i32
    %iota3A = tpu.iota {dimensions = array<i32: 0>} : vector<16xi32>
    %dma_start3A = arith.constant 0 : i32
    %dma_start3A_3 = arith.constant 0 : i32
    %dma_start3A_4 = arith.constant 0 : i32
    %dma_start3A_5 = arith.constant 0 : i32
    %dma_start3A_6 = tpu.memref_slice %arg5[%dma_start3A, %dma_start3A_4, %dma_start3A_5] : memref<2x64x128xf32, #tpu.memory_space<vmem>> -> memref<1x64x128xf32, #tpu.memory_space<vmem>>
    %dma_start3A_7 = tpu.memref_squeeze %dma_start3A_6 : memref<1x64x128xf32, #tpu.memory_space<vmem>> -> memref<64x128xf32, #tpu.memory_space<vmem>>
    %dma_start3A_8 = arith.constant 0 : i32
    %dma_start3A_9 = tpu.memref_slice %arg2[%dma_start3A_8, %mul3A_2] : memref<64x32768xf32, #tpu.memory_space<hbm>> -> memref<64x128xf32, #tpu.memory_space<hbm>>
    %dma_start3A_10 = tpu.memref_slice %arg8[%dma_start3A_3] : memref<2x!tpu.dma_semaphore, #tpu.memory_space<semaphore_mem>> -> memref<1x!tpu.dma_semaphore, #tpu.memory_space<semaphore_mem>>
    %dma_start3A_11 = tpu.memref_squeeze %dma_start3A_10 : memref<1x!tpu.dma_semaphore, #tpu.memory_space<semaphore_mem>> -> memref<!tpu.dma_semaphore, #tpu.memory_space<semaphore_mem>>
    %dma_start3A_12 = arith.constant 0 : i32
    %dma_start3A_13 = arith.constant 0 : i32
    %dma_start3A_14 = tpu.memref_slice %arg5[%dma_start3A, %dma_start3A_12, %dma_start3A_13] : memref<2x64x128xf32, #tpu.memory_space<vmem>> -> memref<1x64x128xf32, #tpu.memory_space<vmem>>
    %dma_start3A_15 = tpu.memref_squeeze %dma_start3A_14 : memref<1x64x128xf32, #tpu.memory_space<vmem>> -> memref<64x128xf32, #tpu.memory_space<vmem>>
    %dma_start3A_16 = arith.constant 0 : i32
    %dma_start3A_17 = tpu.memref_slice %arg2[%dma_start3A_16, %mul3A_2] : memref<64x32768xf32, #tpu.memory_space<hbm>> -> memref<64x128xf32, #tpu.memory_space<hbm>>
    tpu.enqueue_dma source(%dma_start3A_17 : memref<64x128xf32, #tpu.memory_space<hbm>>) target(%dma_start3A_15 : memref<64x128xf32, #tpu.memory_space<vmem>>) target_semaphore(%dma_start3A_11 : memref<!tpu.dma_semaphore, #tpu.memory_space<semaphore_mem>>)
    %scan3A = arith.constant 0 : i32
    %scan3A_18 = arith.constant 0 : i32
    %scan3A_19 = arith.constant 8 : i32
    %scan3A_20 = arith.addi %scan3A_18, %scan3A_19 : i32
    %scan3A_21 = arith.constant 1 : i32
    scf.for %scan3A_23 = %scan3A_18 to %scan3A_20 step %scan3A_21  : i32 {
      %and3A = arith.constant 1 : i32
      %and3A_24 = arith.andi %scan3A_23, %and3A : i32
      %add3A_25 = arith.constant 1 : i32
      %add3A_26 = arith.addi %scan3A_23, %add3A_25 : i32
      %lt3A = arith.constant 8 : i32
      %lt3A_27 = arith.cmpi slt, %add3A_26, %lt3A : i32
      %convert_element_type3A = arith.extui %lt3A_27 : i1 to i32
      %cond3A = arith.constant 0 : i32
      %cond3A_28 = arith.cmpi ne, %convert_element_type3A, %cond3A : i32
      scf.if %cond3A_28 {
        %mul3A_44 = arith.constant 128 : i32
        %mul3A_45 = arith.muli %add3A_26, %mul3A_44 : i32
        %add3A_46 = arith.addi %mul3A_2, %mul3A_45 : i32
        %and3A_47 = arith.constant 1 : i32
        %and3A_48 = arith.andi %add3A_26, %and3A_47 : i32
        %and3A_49 = arith.constant 1 : i32
        %and3A_50 = arith.andi %add3A_26, %and3A_49 : i32
        %dma_start3A_51 = arith.constant 0 : i32
        %dma_start3A_52 = arith.constant 0 : i32
        %dma_start3A_53 = tpu.memref_slice %arg5[%and3A_48, %dma_start3A_51, %dma_start3A_52] : memref<2x64x128xf32, #tpu.memory_space<vmem>> -> memref<1x64x128xf32, #tpu.memory_space<vmem>>
        %dma_start3A_54 = tpu.memref_squeeze %dma_start3A_53 : memref<1x64x128xf32, #tpu.memory_space<vmem>> -> memref<64x128xf32, #tpu.memory_space<vmem>>
        %dma_start3A_55 = arith.constant 0 : i32
        %dma_start3A_56 = tpu.memref_slice %arg2[%dma_start3A_55, %add3A_46] : memref<64x32768xf32, #tpu.memory_space<hbm>> -> memref<64x128xf32, #tpu.memory_space<hbm>>
        %dma_start3A_57 = tpu.memref_slice %arg8[%and3A_50] : memref<2x!tpu.dma_semaphore, #tpu.memory_space<semaphore_mem>> -> memref<1x!tpu.dma_semaphore, #tpu.memory_space<semaphore_mem>>
        %dma_start3A_58 = tpu.memref_squeeze %dma_start3A_57 : memref<1x!tpu.dma_semaphore, #tpu.memory_space<semaphore_mem>> -> memref<!tpu.dma_semaphore, #tpu.memory_space<semaphore_mem>>
        %dma_start3A_59 = arith.constant 0 : i32
        %dma_start3A_60 = arith.constant 0 : i32
        %dma_start3A_61 = tpu.memref_slice %arg5[%and3A_48, %dma_start3A_59, %dma_start3A_60] : memref<2x64x128xf32, #tpu.memory_space<vmem>> -> memref<1x64x128xf32, #tpu.memory_space<vmem>>
        %dma_start3A_62 = tpu.memref_squeeze %dma_start3A_61 : memref<1x64x128xf32, #tpu.memory_space<vmem>> -> memref<64x128xf32, #tpu.memory_space<vmem>>
        %dma_start3A_63 = arith.constant 0 : i32
        %dma_start3A_64 = tpu.memref_slice %arg2[%dma_start3A_63, %add3A_46] : memref<64x32768xf32, #tpu.memory_space<hbm>> -> memref<64x128xf32, #tpu.memory_space<hbm>>
        tpu.enqueue_dma source(%dma_start3A_64 : memref<64x128xf32, #tpu.memory_space<hbm>>) target(%dma_start3A_62 : memref<64x128xf32, #tpu.memory_space<vmem>>) target_semaphore(%dma_start3A_58 : memref<!tpu.dma_semaphore, #tpu.memory_space<semaphore_mem>>)
      } else {
      }
      %dma_wait3A = arith.constant 0 : i32
      %dma_wait3A_29 = arith.constant 0 : i32
      %dma_wait3A_30 = tpu.memref_slice %arg5[%and3A_24, %dma_wait3A, %dma_wait3A_29] : memref<2x64x128xf32, #tpu.memory_space<vmem>> -> memref<1x64x128xf32, #tpu.memory_space<vmem>>
      %dma_wait3A_31 = tpu.memref_squeeze %dma_wait3A_30 : memref<1x64x128xf32, #tpu.memory_space<vmem>> -> memref<64x128xf32, #tpu.memory_space<vmem>>
      %dma_wait3A_32 = arith.constant 0 : i32
      %dma_wait3A_33 = tpu.memref_slice %arg2[%dma_wait3A_32, %mul3A_2] : memref<64x32768xf32, #tpu.memory_space<hbm>> -> memref<64x128xf32, #tpu.memory_space<hbm>>
      %dma_wait3A_34 = tpu.memref_slice %arg8[%and3A_24] : memref<2x!tpu.dma_semaphore, #tpu.memory_space<semaphore_mem>> -> memref<1x!tpu.dma_semaphore, #tpu.memory_space<semaphore_mem>>
      %dma_wait3A_35 = tpu.memref_squeeze %dma_wait3A_34 : memref<1x!tpu.dma_semaphore, #tpu.memory_space<semaphore_mem>> -> memref<!tpu.dma_semaphore, #tpu.memory_space<semaphore_mem>>
      %dma_wait3A_36 = arith.constant 0 : i32
      %dma_wait3A_37 = arith.constant 0 : i32
      %dma_wait3A_38 = tpu.memref_slice %arg5[%and3A_24, %dma_wait3A_36, %dma_wait3A_37] : memref<2x64x128xf32, #tpu.memory_space<vmem>> -> memref<1x64x128xf32, #tpu.memory_space<vmem>>
      %dma_wait3A_39 = tpu.memref_squeeze %dma_wait3A_38 : memref<1x64x128xf32, #tpu.memory_space<vmem>> -> memref<64x128xf32, #tpu.memory_space<vmem>>
      %dma_wait3A_40 = arith.constant 0 : i32
      %dma_wait3A_41 = tpu.memref_slice %arg2[%dma_wait3A_40, %mul3A_2] : memref<64x32768xf32, #tpu.memory_space<hbm>> -> memref<64x128xf32, #tpu.memory_space<hbm>>
      tpu.wait_dma2 semaphore(%dma_wait3A_35 : memref<!tpu.dma_semaphore, #tpu.memory_space<semaphore_mem>>) src(%dma_wait3A_41 : memref<64x128xf32, #tpu.memory_space<hbm>>) dst(%dma_wait3A_39 : memref<64x128xf32, #tpu.memory_space<vmem>>)
      %parallel_loop3A = arith.constant 0 : i32
      %parallel_loop3A_42 = arith.constant 8 : i32
      %parallel_loop3A_43 = arith.constant 1 : i32
      scf.for %parallel_loop3A_44 = %parallel_loop3A to %parallel_loop3A_42 step %parallel_loop3A_43  : i32 {
        %parallel_loop3A_45 = arith.constant 16 : i32
        %parallel_loop3A_46 = arith.muli %parallel_loop3A_44, %parallel_loop3A_45 : i32
        %parallel_loop3A_47 = arith.constant 0 : i32
        %parallel_loop3A_48 = arith.constant 0 : i32
        %parallel_loop3A_49 = arith.constant 0 : i32
        %parallel_loop3A_50 = tpu.memref_slice %arg5[%and3A_24, %parallel_loop3A_48, %parallel_loop3A_49] : memref<2x64x128xf32, #tpu.memory_space<vmem>> -> memref<1x64x128xf32, #tpu.memory_space<vmem>>
        %parallel_loop3A_51 = tpu.memref_squeeze %parallel_loop3A_50 : memref<1x64x128xf32, #tpu.memory_space<vmem>> -> memref<64x128xf32, #tpu.memory_space<vmem>>
        %parallel_loop3A_52 = arith.index_cast %parallel_loop3A_47 : i32 to index
        %parallel_loop3A_53 = arith.index_cast %parallel_loop3A_46 : i32 to index
        %parallel_loop3A_54 = tpu.vector_load %parallel_loop3A_51[%parallel_loop3A_52, %parallel_loop3A_53] {strides = array<i32>} : memref<64x128xf32, #tpu.memory_space<vmem>>, vector<16xf32>,
        %parallel_loop3A_55 = vector.bitcast %parallel_loop3A_54 : vector<16xf32> to vector<16xi32>
        %parallel_loop3A_56 = arith.constant 63 : i32
        %parallel_loop3A_57 = arith.constant -1 : i32
        %parallel_loop3A_58 = arith.xori %parallel_loop3A_56, %parallel_loop3A_57 : i32
        %parallel_loop3A_59 = vector.broadcast %parallel_loop3A_58 : i32 to vector<16xi32>
        %parallel_loop3A_60 = arith.andi %parallel_loop3A_55, %parallel_loop3A_59 : vector<16xi32>
        %parallel_loop3A_61 = arith.constant 63 : i32
        %parallel_loop3A_62 = vector.broadcast %parallel_loop3A_61 : i32 to vector<16xi32>
        %parallel_loop3A_63 = arith.ori %parallel_loop3A_60, %parallel_loop3A_62 : vector<16xi32>
        %parallel_loop3A_64 = vector.bitcast %parallel_loop3A_63 : vector<16xi32> to vector<16xf32>
        %parallel_loop3A_65 = arith.constant 1 : i32
        %parallel_loop3A_66 = arith.constant 0 : i32
        %parallel_loop3A_67 = arith.constant 0 : i32
        %parallel_loop3A_68 = tpu.memref_slice %arg5[%and3A_24, %parallel_loop3A_66, %parallel_loop3A_67] : memref<2x64x128xf32, #tpu.memory_space<vmem>> -> memref<1x64x128xf32, #tpu.memory_space<vmem>>
        %parallel_loop3A_69 = tpu.memref_squeeze %parallel_loop3A_68 : memref<1x64x128xf32, #tpu.memory_space<vmem>> -> memref<64x128xf32, #tpu.memory_space<vmem>>
        %parallel_loop3A_70 = arith.index_cast %parallel_loop3A_65 : i32 to index
        %parallel_loop3A_71 = arith.index_cast %parallel_loop3A_46 : i32 to index
        %parallel_loop3A_72 = tpu.vector_load %parallel_loop3A_69[%parallel_loop3A_70, %parallel_loop3A_71] {strides = array<i32>} : memref<64x128xf32, #tpu.memory_space<vmem>>, vector<16xf32>,
        %parallel_loop3A_73 = vector.bitcast %parallel_loop3A_72 : vector<16xf32> to vector<16xi32>
        %parallel_loop3A_74 = arith.constant 63 : i32
        %parallel_loop3A_75 = arith.constant -1 : i32
        %parallel_loop3A_76 = arith.xori %parallel_loop3A_74, %parallel_loop3A_75 : i32
        %parallel_loop3A_77 = vector.broadcast %parallel_loop3A_76 : i32 to vector<16xi32>
        %parallel_loop3A_78 = arith.andi %parallel_loop3A_73, %parallel_loop3A_77 : vector<16xi32>
        %parallel_loop3A_79 = arith.constant 62 : i32
        %parallel_loop3A_80 = vector.broadcast %parallel_loop3A_79 : i32 to vector<16xi32>
        %parallel_loop3A_81 = arith.ori %parallel_loop3A_78, %parallel_loop3A_80 : vector<16xi32>
        %parallel_loop3A_82 = vector.bitcast %parallel_loop3A_81 : vector<16xi32> to vector<16xf32>
        %parallel_loop3A_83 = arith.constant 2 : i32
        %parallel_loop3A_84 = arith.constant 0 : i32
        %parallel_loop3A_85 = arith.constant 0 : i32
        %parallel_loop3A_86 = tpu.memref_slice %arg5[%and3A_24, %parallel_loop3A_84, %parallel_loop3A_85] : memref<2x64x128xf32, #tpu.memory_space<vmem>> -> memref<1x64x128xf32, #tpu.memory_space<vmem>>
        %parallel_loop3A_87 = tpu.memref_squeeze %parallel_loop3A_86 : memref<1x64x128xf32, #tpu.memory_space<vmem>> -> memref<64x128xf32, #tpu.memory_space<vmem>>
        %parallel_loop3A_88 = arith.index_cast %parallel_loop3A_83 : i32 to index
        %parallel_loop3A_89 = arith.index_cast %parallel_loop3A_46 : i32 to index
        %parallel_loop3A_90 = tpu.vector_load %parallel_loop3A_87[%parallel_loop3A_88, %parallel_loop3A_89] {strides = array<i32>} : memref<64x128xf32, #tpu.memory_space<vmem>>, vector<16xf32>,
        %parallel_loop3A_91 = vector.bitcast %parallel_loop3A_90 : vector<16xf32> to vector<16xi32>
        %parallel_loop3A_92 = arith.constant 63 : i32
        %parallel_loop3A_93 = arith.constant -1 : i32
        %parallel_loop3A_94 = arith.xori %parallel_loop3A_92, %parallel_loop3A_93 : i32
        %parallel_loop3A_95 = vector.broadcast %parallel_loop3A_94 : i32 to vector<16xi32>
        %parallel_loop3A_96 = arith.andi %parallel_loop3A_91, %parallel_loop3A_95 : vector<16xi32>
        %parallel_loop3A_97 = arith.constant 61 : i32
        %parallel_loop3A_98 = vector.broadcast %parallel_loop3A_97 : i32 to vector<16xi32>
        %parallel_loop3A_99 = arith.ori %parallel_loop3A_96, %parallel_loop3A_98 : vector<16xi32>
        %parallel_loop3A_100 = vector.bitcast %parallel_loop3A_99 : vector<16xi32> to vector<16xf32>
        %parallel_loop3A_101 = arith.constant 3 : i32
        %parallel_loop3A_102 = arith.constant 0 : i32
        %parallel_loop3A_103 = arith.constant 0 : i32
        %parallel_loop3A_104 = tpu.memref_slice %arg5[%and3A_24, %parallel_loop3A_102, %parallel_loop3A_103] : memref<2x64x128xf32, #tpu.memory_space<vmem>> -> memref<1x64x128xf32, #tpu.memory_space<vmem>>
        %parallel_loop3A_105 = tpu.memref_squeeze %parallel_loop3A_104 : memref<1x64x128xf32, #tpu.memory_space<vmem>> -> memref<64x128xf32, #tpu.memory_space<vmem>>
        %parallel_loop3A_106 = arith.index_cast %parallel_loop3A_101 : i32 to index
        %parallel_loop3A_107 = arith.index_cast %parallel_loop3A_46 : i32 to index
        %parallel_loop3A_108 = tpu.vector_load %parallel_loop3A_105[%parallel_loop3A_106, %parallel_loop3A_107] {strides = array<i32>} : memref<64x128xf32, #tpu.memory_space<vmem>>, vector<16xf32>,
        %parallel_loop3A_109 = vector.bitcast %parallel_loop3A_108 : vector<16xf32> to vector<16xi32>
        %parallel_loop3A_110 = arith.constant 63 : i32
        %parallel_loop3A_111 = arith.constant -1 : i32
        %parallel_loop3A_112 = arith.xori %parallel_loop3A_110, %parallel_loop3A_111 : i32
        %parallel_loop3A_113 = vector.broadcast %parallel_loop3A_112 : i32 to vector<16xi32>
        %parallel_loop3A_114 = arith.andi %parallel_loop3A_109, %parallel_loop3A_113 : vector<16xi32>
        %parallel_loop3A_115 = arith.constant 60 : i32
        %parallel_loop3A_116 = vector.broadcast %parallel_loop3A_115 : i32 to vector<16xi32>
        %parallel_loop3A_117 = arith.ori %parallel_loop3A_114, %parallel_loop3A_116 : vector<16xi32>
        %parallel_loop3A_118 = vector.bitcast %parallel_loop3A_117 : vector<16xi32> to vector<16xf32>
        %parallel_loop3A_119 = arith.constant 4 : i32
        %parallel_loop3A_120 = arith.constant 0 : i32
        %parallel_loop3A_121 = arith.constant 0 : i32
        %parallel_loop3A_122 = tpu.memref_slice %arg5[%and3A_24, %parallel_loop3A_120, %parallel_loop3A_121] : memref<2x64x128xf32, #tpu.memory_space<vmem>> -> memref<1x64x128xf32, #tpu.memory_space<vmem>>
        %parallel_loop3A_123 = tpu.memref_squeeze %parallel_loop3A_122 : memref<1x64x128xf32, #tpu.memory_space<vmem>> -> memref<64x128xf32, #tpu.memory_space<vmem>>
        %parallel_loop3A_124 = arith.index_cast %parallel_loop3A_119 : i32 to index
        %parallel_loop3A_125 = arith.index_cast %parallel_loop3A_46 : i32 to index
        %parallel_loop3A_126 = tpu.vector_load %parallel_loop3A_123[%parallel_loop3A_124, %parallel_loop3A_125] {strides = array<i32>} : memref<64x128xf32, #tpu.memory_space<vmem>>, vector<16xf32>,
        %parallel_loop3A_127 = vector.bitcast %parallel_loop3A_126 : vector<16xf32> to vector<16xi32>
        %parallel_loop3A_128 = arith.constant 63 : i32
        %parallel_loop3A_129 = arith.constant -1 : i32
        %parallel_loop3A_130 = arith.xori %parallel_loop3A_128, %parallel_loop3A_129 : i32
        %parallel_loop3A_131 = vector.broadcast %parallel_loop3A_130 : i32 to vector<16xi32>
        %parallel_loop3A_132 = arith.andi %parallel_loop3A_127, %parallel_loop3A_131 : vector<16xi32>
        %parallel_loop3A_133 = arith.constant 59 : i32
        %parallel_loop3A_134 = vector.broadcast %parallel_loop3A_133 : i32 to vector<16xi32>
        %parallel_loop3A_135 = arith.ori %parallel_loop3A_132, %parallel_loop3A_134 : vector<16xi32>
        %parallel_loop3A_136 = vector.bitcast %parallel_loop3A_135 : vector<16xi32> to vector<16xf32>
        %parallel_loop3A_137 = arith.constant 5 : i32
        %parallel_loop3A_138 = arith.constant 0 : i32
        %parallel_loop3A_139 = arith.constant 0 : i32
        %parallel_loop3A_140 = tpu.memref_slice %arg5[%and3A_24, %parallel_loop3A_138, %parallel_loop3A_139] : memref<2x64x128xf32, #tpu.memory_space<vmem>> -> memref<1x64x128xf32, #tpu.memory_space<vmem>>
        %parallel_loop3A_141 = tpu.memref_squeeze %parallel_loop3A_140 : memref<1x64x128xf32, #tpu.memory_space<vmem>> -> memref<64x128xf32, #tpu.memory_space<vmem>>
        %parallel_loop3A_142 = arith.index_cast %parallel_loop3A_137 : i32 to index
        %parallel_loop3A_143 = arith.index_cast %parallel_loop3A_46 : i32 to index
        %parallel_loop3A_144 = tpu.vector_load %parallel_loop3A_141[%parallel_loop3A_142, %parallel_loop3A_143] {strides = array<i32>} : memref<64x128xf32, #tpu.memory_space<vmem>>, vector<16xf32>,
        %parallel_loop3A_145 = vector.bitcast %parallel_loop3A_144 : vector<16xf32> to vector<16xi32>
        %parallel_loop3A_146 = arith.constant 63 : i32
        %parallel_loop3A_147 = arith.constant -1 : i32
        %parallel_loop3A_148 = arith.xori %parallel_loop3A_146, %parallel_loop3A_147 : i32
        %parallel_loop3A_149 = vector.broadcast %parallel_loop3A_148 : i32 to vector<16xi32>
        %parallel_loop3A_150 = arith.andi %parallel_loop3A_145, %parallel_loop3A_149 : vector<16xi32>
        %parallel_loop3A_151 = arith.constant 58 : i32
        %parallel_loop3A_152 = vector.broadcast %parallel_loop3A_151 : i32 to vector<16xi32>
        %parallel_loop3A_153 = arith.ori %parallel_loop3A_150, %parallel_loop3A_152 : vector<16xi32>
        %parallel_loop3A_154 = vector.bitcast %parallel_loop3A_153 : vector<16xi32> to vector<16xf32>
        %parallel_loop3A_155 = arith.constant 6 : i32
        %parallel_loop3A_156 = arith.constant 0 : i32
        %parallel_loop3A_157 = arith.constant 0 : i32
        %parallel_loop3A_158 = tpu.memref_slice %arg5[%and3A_24, %parallel_loop3A_156, %parallel_loop3A_157] : memref<2x64x128xf32, #tpu.memory_space<vmem>> -> memref<1x64x128xf32, #tpu.memory_space<vmem>>
        %parallel_loop3A_159 = tpu.memref_squeeze %parallel_loop3A_158 : memref<1x64x128xf32, #tpu.memory_space<vmem>> -> memref<64x128xf32, #tpu.memory_space<vmem>>
        %parallel_loop3A_160 = arith.index_cast %parallel_loop3A_155 : i32 to index
        %parallel_loop3A_161 = arith.index_cast %parallel_loop3A_46 : i32 to index
        %parallel_loop3A_162 = tpu.vector_load %parallel_loop3A_159[%parallel_loop3A_160, %parallel_loop3A_161] {strides = array<i32>} : memref<64x128xf32, #tpu.memory_space<vmem>>, vector<16xf32>,
        %parallel_loop3A_163 = vector.bitcast %parallel_loop3A_162 : vector<16xf32> to vector<16xi32>
        %parallel_loop3A_164 = arith.constant 63 : i32
        %parallel_loop3A_165 = arith.constant -1 : i32
        %parallel_loop3A_166 = arith.xori %parallel_loop3A_164, %parallel_loop3A_165 : i32
        %parallel_loop3A_167 = vector.broadcast %parallel_loop3A_166 : i32 to vector<16xi32>
        %parallel_loop3A_168 = arith.andi %parallel_loop3A_163, %parallel_loop3A_167 : vector<16xi32>
        %parallel_loop3A_169 = arith.constant 57 : i32
        %parallel_loop3A_170 = vector.broadcast %parallel_loop3A_169 : i32 to vector<16xi32>
        %parallel_loop3A_171 = arith.ori %parallel_loop3A_168, %parallel_loop3A_170 : vector<16xi32>
        %parallel_loop3A_172 = vector.bitcast %parallel_loop3A_171 : vector<16xi32> to vector<16xf32>
        %parallel_loop3A_173 = arith.constant 7 : i32
        %parallel_loop3A_174 = arith.constant 0 : i32
        %parallel_loop3A_175 = arith.constant 0 : i32
        %parallel_loop3A_176 = tpu.memref_slice %arg5[%and3A_24, %parallel_loop3A_174, %parallel_loop3A_175] : memref<2x64x128xf32, #tpu.memory_space<vmem>> -> memref<1x64x128xf32, #tpu.memory_space<vmem>>
        %parallel_loop3A_177 = tpu.memref_squeeze %parallel_loop3A_176 : memref<1x64x128xf32, #tpu.memory_space<vmem>> -> memref<64x128xf32, #tpu.memory_space<vmem>>
        %parallel_loop3A_178 = arith.index_cast %parallel_loop3A_173 : i32 to index
        %parallel_loop3A_179 = arith.index_cast %parallel_loop3A_46 : i32 to index
        %parallel_loop3A_180 = tpu.vector_load %parallel_loop3A_177[%parallel_loop3A_178, %parallel_loop3A_179] {strides = array<i32>} : memref<64x128xf32, #tpu.memory_space<vmem>>, vector<16xf32>,
        %parallel_loop3A_181 = vector.bitcast %parallel_loop3A_180 : vector<16xf32> to vector<16xi32>
        %parallel_loop3A_182 = arith.constant 63 : i32
        %parallel_loop3A_183 = arith.constant -1 : i32
        %parallel_loop3A_184 = arith.xori %parallel_loop3A_182, %parallel_loop3A_183 : i32
        %parallel_loop3A_185 = vector.broadcast %parallel_loop3A_184 : i32 to vector<16xi32>
        %parallel_loop3A_186 = arith.andi %parallel_loop3A_181, %parallel_loop3A_185 : vector<16xi32>
        %parallel_loop3A_187 = arith.constant 56 : i32
        %parallel_loop3A_188 = vector.broadcast %parallel_loop3A_187 : i32 to vector<16xi32>
        %parallel_loop3A_189 = arith.ori %parallel_loop3A_186, %parallel_loop3A_188 : vector<16xi32>
        %parallel_loop3A_190 = vector.bitcast %parallel_loop3A_189 : vector<16xi32> to vector<16xf32>
        %parallel_loop3A_191 = arith.maximumf %parallel_loop3A_64, %parallel_loop3A_82 : vector<16xf32>
        %parallel_loop3A_192 = arith.minimumf %parallel_loop3A_64, %parallel_loop3A_82 : vector<16xf32>
        %parallel_loop3A_193 = arith.maximumf %parallel_loop3A_100, %parallel_loop3A_118 : vector<16xf32>
        %parallel_loop3A_194 = arith.minimumf %parallel_loop3A_100, %parallel_loop3A_118 : vector<16xf32>
        %parallel_loop3A_195 = arith.maximumf %parallel_loop3A_136, %parallel_loop3A_154 : vector<16xf32>
        %parallel_loop3A_196 = arith.minimumf %parallel_loop3A_136, %parallel_loop3A_154 : vector<16xf32>
        %parallel_loop3A_197 = arith.maximumf %parallel_loop3A_172, %parallel_loop3A_190 : vector<16xf32>
        %parallel_loop3A_198 = arith.minimumf %parallel_loop3A_172, %parallel_loop3A_190 : vector<16xf32>
        %parallel_loop3A_199 = arith.maximumf %parallel_loop3A_191, %parallel_loop3A_193 : vector<16xf32>
        %parallel_loop3A_200 = arith.minimumf %parallel_loop3A_191, %parallel_loop3A_193 : vector<16xf32>
        %parallel_loop3A_201 = arith.maximumf %parallel_loop3A_192, %parallel_loop3A_194 : vector<16xf32>
        %parallel_loop3A_202 = arith.minimumf %parallel_loop3A_192, %parallel_loop3A_194 : vector<16xf32>
        %parallel_loop3A_203 = arith.maximumf %parallel_loop3A_195, %parallel_loop3A_197 : vector<16xf32>
        %parallel_loop3A_204 = arith.minimumf %parallel_loop3A_195, %parallel_loop3A_197 : vector<16xf32>
        %parallel_loop3A_205 = arith.maximumf %parallel_loop3A_196, %parallel_loop3A_198 : vector<16xf32>
        %parallel_loop3A_206 = arith.minimumf %parallel_loop3A_196, %parallel_loop3A_198 : vector<16xf32>
        %parallel_loop3A_207 = arith.maximumf %parallel_loop3A_201, %parallel_loop3A_200 : vector<16xf32>
        %parallel_loop3A_208 = arith.minimumf %parallel_loop3A_201, %parallel_loop3A_200 : vector<16xf32>
        %parallel_loop3A_209 = arith.maximumf %parallel_loop3A_205, %parallel_loop3A_204 : vector<16xf32>
        %parallel_loop3A_210 = arith.minimumf %parallel_loop3A_205, %parallel_loop3A_204 : vector<16xf32>
        %parallel_loop3A_211 = arith.maximumf %parallel_loop3A_199, %parallel_loop3A_203 : vector<16xf32>
        %parallel_loop3A_212 = arith.minimumf %parallel_loop3A_199, %parallel_loop3A_203 : vector<16xf32>
        %parallel_loop3A_213 = arith.maximumf %parallel_loop3A_202, %parallel_loop3A_206 : vector<16xf32>
        %parallel_loop3A_214 = arith.minimumf %parallel_loop3A_202, %parallel_loop3A_206 : vector<16xf32>
        %parallel_loop3A_215 = arith.maximumf %parallel_loop3A_207, %parallel_loop3A_209 : vector<16xf32>
        %parallel_loop3A_216 = arith.minimumf %parallel_loop3A_207, %parallel_loop3A_209 : vector<16xf32>
        %parallel_loop3A_217 = arith.maximumf %parallel_loop3A_208, %parallel_loop3A_210 : vector<16xf32>
        %parallel_loop3A_218 = arith.minimumf %parallel_loop3A_208, %parallel_loop3A_210 : vector<16xf32>
        %parallel_loop3A_219 = arith.maximumf %parallel_loop3A_215, %parallel_loop3A_212 : vector<16xf32>
        %parallel_loop3A_220 = arith.minimumf %parallel_loop3A_215, %parallel_loop3A_212 : vector<16xf32>
        %parallel_loop3A_221 = arith.maximumf %parallel_loop3A_213, %parallel_loop3A_218 : vector<16xf32>
        %parallel_loop3A_222 = arith.minimumf %parallel_loop3A_213, %parallel_loop3A_218 : vector<16xf32>
        %parallel_loop3A_223 = arith.maximumf %parallel_loop3A_217, %parallel_loop3A_220 : vector<16xf32>
        %parallel_loop3A_224 = arith.minimumf %parallel_loop3A_217, %parallel_loop3A_220 : vector<16xf32>
        %parallel_loop3A_225 = arith.maximumf %parallel_loop3A_221, %parallel_loop3A_216 : vector<16xf32>
        %parallel_loop3A_226 = arith.minimumf %parallel_loop3A_221, %parallel_loop3A_216 : vector<16xf32>
        %parallel_loop3A_227 = arith.maximumf %parallel_loop3A_225, %parallel_loop3A_224 : vector<16xf32>
        %parallel_loop3A_228 = arith.minimumf %parallel_loop3A_225, %parallel_loop3A_224 : vector<16xf32>
        %parallel_loop3A_229 = arith.constant 1 : i32
        %parallel_loop3A_230 = arith.constant 7 : i32
        %parallel_loop3A_231 = arith.addi %parallel_loop3A_229, %parallel_loop3A_230 : i32
        %parallel_loop3A_232 = arith.constant 1 : i32
        %parallel_loop3A_233:8 = scf.for %scan3A_495 = %parallel_loop3A_229 to %parallel_loop3A_231 step %parallel_loop3A_232 iter_args(%scan3A_496 = %parallel_loop3A_211, %scan3A_497 = %parallel_loop3A_219, %scan3A_498 = %parallel_loop3A_223, %scan3A_499 = %parallel_loop3A_227, %scan3A_500 = %parallel_loop3A_228, %scan3A_501 = %parallel_loop3A_226, %scan3A_502 = %parallel_loop3A_222, %scan3A_503 = %parallel_loop3A_214) -> (vector<16xf32>, vector<16xf32>, vector<16xf32>, vector<16xf32>, vector<16xf32>, vector<16xf32>, vector<16xf32>, vector<16xf32>)  : i32 {
          %parallel_loop3A_504 = arith.constant 8 : i32
          %parallel_loop3A_505 = arith.muli %scan3A_495, %parallel_loop3A_504 : i32
          %parallel_loop3A_506 = arith.constant 0 : i32
          %parallel_loop3A_507 = arith.addi %parallel_loop3A_505, %parallel_loop3A_506 : i32
          %parallel_loop3A_508 = arith.constant 0 : i32
          %parallel_loop3A_509 = arith.constant 0 : i32
          %parallel_loop3A_510 = tpu.memref_slice %arg5[%and3A_24, %parallel_loop3A_508, %parallel_loop3A_509] : memref<2x64x128xf32, #tpu.memory_space<vmem>> -> memref<1x64x128xf32, #tpu.memory_space<vmem>>
          %parallel_loop3A_511 = tpu.memref_squeeze %parallel_loop3A_510 : memref<1x64x128xf32, #tpu.memory_space<vmem>> -> memref<64x128xf32, #tpu.memory_space<vmem>>
          %parallel_loop3A_512 = arith.index_cast %parallel_loop3A_507 : i32 to index
          %parallel_loop3A_513 = arith.index_cast %parallel_loop3A_46 : i32 to index
          %parallel_loop3A_514 = tpu.vector_load %parallel_loop3A_511[%parallel_loop3A_512, %parallel_loop3A_513] {strides = array<i32>} : memref<64x128xf32, #tpu.memory_space<vmem>>, vector<16xf32>,
          %parallel_loop3A_515 = vector.bitcast %parallel_loop3A_514 : vector<16xf32> to vector<16xi32>
          %parallel_loop3A_516 = arith.constant 63 : i32
          %parallel_loop3A_517 = arith.constant -1 : i32
          %parallel_loop3A_518 = arith.xori %parallel_loop3A_516, %parallel_loop3A_517 : i32
          %parallel_loop3A_519 = vector.broadcast %parallel_loop3A_518 : i32 to vector<16xi32>
          %parallel_loop3A_520 = arith.andi %parallel_loop3A_515, %parallel_loop3A_519 : vector<16xi32>
          %parallel_loop3A_521 = arith.constant 63 : i32
          %parallel_loop3A_522 = arith.subi %parallel_loop3A_521, %parallel_loop3A_507 : i32
          %parallel_loop3A_523 = vector.broadcast %parallel_loop3A_522 : i32 to vector<16xi32>
          %parallel_loop3A_524 = arith.ori %parallel_loop3A_520, %parallel_loop3A_523 : vector<16xi32>
          %parallel_loop3A_525 = vector.bitcast %parallel_loop3A_524 : vector<16xi32> to vector<16xf32>
          %parallel_loop3A_526 = arith.constant 8 : i32
          %parallel_loop3A_527 = arith.muli %scan3A_495, %parallel_loop3A_526 : i32
          %parallel_loop3A_528 = arith.constant 1 : i32
          %parallel_loop3A_529 = arith.addi %parallel_loop3A_527, %parallel_loop3A_528 : i32
          %parallel_loop3A_530 = arith.constant 0 : i32
          %parallel_loop3A_531 = arith.constant 0 : i32
          %parallel_loop3A_532 = tpu.memref_slice %arg5[%and3A_24, %parallel_loop3A_530, %parallel_loop3A_531] : memref<2x64x128xf32, #tpu.memory_space<vmem>> -> memref<1x64x128xf32, #tpu.memory_space<vmem>>
          %parallel_loop3A_533 = tpu.memref_squeeze %parallel_loop3A_532 : memref<1x64x128xf32, #tpu.memory_space<vmem>> -> memref<64x128xf32, #tpu.memory_space<vmem>>
          %parallel_loop3A_534 = arith.index_cast %parallel_loop3A_529 : i32 to index
          %parallel_loop3A_535 = arith.index_cast %parallel_loop3A_46 : i32 to index
          %parallel_loop3A_536 = tpu.vector_load %parallel_loop3A_533[%parallel_loop3A_534, %parallel_loop3A_535] {strides = array<i32>} : memref<64x128xf32, #tpu.memory_space<vmem>>, vector<16xf32>,
          %parallel_loop3A_537 = vector.bitcast %parallel_loop3A_536 : vector<16xf32> to vector<16xi32>
          %parallel_loop3A_538 = arith.constant 63 : i32
          %parallel_loop3A_539 = arith.constant -1 : i32
          %parallel_loop3A_540 = arith.xori %parallel_loop3A_538, %parallel_loop3A_539 : i32
          %parallel_loop3A_541 = vector.broadcast %parallel_loop3A_540 : i32 to vector<16xi32>
          %parallel_loop3A_542 = arith.andi %parallel_loop3A_537, %parallel_loop3A_541 : vector<16xi32>
          %parallel_loop3A_543 = arith.constant 63 : i32
          %parallel_loop3A_544 = arith.subi %parallel_loop3A_543, %parallel_loop3A_529 : i32
          %parallel_loop3A_545 = vector.broadcast %parallel_loop3A_544 : i32 to vector<16xi32>
          %parallel_loop3A_546 = arith.ori %parallel_loop3A_542, %parallel_loop3A_545 : vector<16xi32>
          %parallel_loop3A_547 = vector.bitcast %parallel_loop3A_546 : vector<16xi32> to vector<16xf32>
          %parallel_loop3A_548 = arith.constant 8 : i32
          %parallel_loop3A_549 = arith.muli %scan3A_495, %parallel_loop3A_548 : i32
          %parallel_loop3A_550 = arith.constant 2 : i32
          %parallel_loop3A_551 = arith.addi %parallel_loop3A_549, %parallel_loop3A_550 : i32
          %parallel_loop3A_552 = arith.constant 0 : i32
          %parallel_loop3A_553 = arith.constant 0 : i32
          %parallel_loop3A_554 = tpu.memref_slice %arg5[%and3A_24, %parallel_loop3A_552, %parallel_loop3A_553] : memref<2x64x128xf32, #tpu.memory_space<vmem>> -> memref<1x64x128xf32, #tpu.memory_space<vmem>>
          %parallel_loop3A_555 = tpu.memref_squeeze %parallel_loop3A_554 : memref<1x64x128xf32, #tpu.memory_space<vmem>> -> memref<64x128xf32, #tpu.memory_space<vmem>>
          %parallel_loop3A_556 = arith.index_cast %parallel_loop3A_551 : i32 to index
          %parallel_loop3A_557 = arith.index_cast %parallel_loop3A_46 : i32 to index
          %parallel_loop3A_558 = tpu.vector_load %parallel_loop3A_555[%parallel_loop3A_556, %parallel_loop3A_557] {strides = array<i32>} : memref<64x128xf32, #tpu.memory_space<vmem>>, vector<16xf32>,
          %parallel_loop3A_559 = vector.bitcast %parallel_loop3A_558 : vector<16xf32> to vector<16xi32>
          %parallel_loop3A_560 = arith.constant 63 : i32
          %parallel_loop3A_561 = arith.constant -1 : i32
          %parallel_loop3A_562 = arith.xori %parallel_loop3A_560, %parallel_loop3A_561 : i32
          %parallel_loop3A_563 = vector.broadcast %parallel_loop3A_562 : i32 to vector<16xi32>
          %parallel_loop3A_564 = arith.andi %parallel_loop3A_559, %parallel_loop3A_563 : vector<16xi32>
          %parallel_loop3A_565 = arith.constant 63 : i32
          %parallel_loop3A_566 = arith.subi %parallel_loop3A_565, %parallel_loop3A_551 : i32
          %parallel_loop3A_567 = vector.broadcast %parallel_loop3A_566 : i32 to vector<16xi32>
          %parallel_loop3A_568 = arith.ori %parallel_loop3A_564, %parallel_loop3A_567 : vector<16xi32>
          %parallel_loop3A_569 = vector.bitcast %parallel_loop3A_568 : vector<16xi32> to vector<16xf32>
          %parallel_loop3A_570 = arith.constant 8 : i32
          %parallel_loop3A_571 = arith.muli %scan3A_495, %parallel_loop3A_570 : i32
          %parallel_loop3A_572 = arith.constant 3 : i32
          %parallel_loop3A_573 = arith.addi %parallel_loop3A_571, %parallel_loop3A_572 : i32
          %parallel_loop3A_574 = arith.constant 0 : i32
          %parallel_loop3A_575 = arith.constant 0 : i32
          %parallel_loop3A_576 = tpu.memref_slice %arg5[%and3A_24, %parallel_loop3A_574, %parallel_loop3A_575] : memref<2x64x128xf32, #tpu.memory_space<vmem>> -> memref<1x64x128xf32, #tpu.memory_space<vmem>>
          %parallel_loop3A_577 = tpu.memref_squeeze %parallel_loop3A_576 : memref<1x64x128xf32, #tpu.memory_space<vmem>> -> memref<64x128xf32, #tpu.memory_space<vmem>>
          %parallel_loop3A_578 = arith.index_cast %parallel_loop3A_573 : i32 to index
          %parallel_loop3A_579 = arith.index_cast %parallel_loop3A_46 : i32 to index
          %parallel_loop3A_580 = tpu.vector_load %parallel_loop3A_577[%parallel_loop3A_578, %parallel_loop3A_579] {strides = array<i32>} : memref<64x128xf32, #tpu.memory_space<vmem>>, vector<16xf32>,
          %parallel_loop3A_581 = vector.bitcast %parallel_loop3A_580 : vector<16xf32> to vector<16xi32>
          %parallel_loop3A_582 = arith.constant 63 : i32
          %parallel_loop3A_583 = arith.constant -1 : i32
          %parallel_loop3A_584 = arith.xori %parallel_loop3A_582, %parallel_loop3A_583 : i32
          %parallel_loop3A_585 = vector.broadcast %parallel_loop3A_584 : i32 to vector<16xi32>
          %parallel_loop3A_586 = arith.andi %parallel_loop3A_581, %parallel_loop3A_585 : vector<16xi32>
          %parallel_loop3A_587 = arith.constant 63 : i32
          %parallel_loop3A_588 = arith.subi %parallel_loop3A_587, %parallel_loop3A_573 : i32
          %parallel_loop3A_589 = vector.broadcast %parallel_loop3A_588 : i32 to vector<16xi32>
          %parallel_loop3A_590 = arith.ori %parallel_loop3A_586, %parallel_loop3A_589 : vector<16xi32>
          %parallel_loop3A_591 = vector.bitcast %parallel_loop3A_590 : vector<16xi32> to vector<16xf32>
          %parallel_loop3A_592 = arith.constant 8 : i32
          %parallel_loop3A_593 = arith.muli %scan3A_495, %parallel_loop3A_592 : i32
          %parallel_loop3A_594 = arith.constant 4 : i32
          %parallel_loop3A_595 = arith.addi %parallel_loop3A_593, %parallel_loop3A_594 : i32
          %parallel_loop3A_596 = arith.constant 0 : i32
          %parallel_loop3A_597 = arith.constant 0 : i32
          %parallel_loop3A_598 = tpu.memref_slice %arg5[%and3A_24, %parallel_loop3A_596, %parallel_loop3A_597] : memref<2x64x128xf32, #tpu.memory_space<vmem>> -> memref<1x64x128xf32, #tpu.memory_space<vmem>>
          %parallel_loop3A_599 = tpu.memref_squeeze %parallel_loop3A_598 : memref<1x64x128xf32, #tpu.memory_space<vmem>> -> memref<64x128xf32, #tpu.memory_space<vmem>>
          %parallel_loop3A_600 = arith.index_cast %parallel_loop3A_595 : i32 to index
          %parallel_loop3A_601 = arith.index_cast %parallel_loop3A_46 : i32 to index
          %parallel_loop3A_602 = tpu.vector_load %parallel_loop3A_599[%parallel_loop3A_600, %parallel_loop3A_601] {strides = array<i32>} : memref<64x128xf32, #tpu.memory_space<vmem>>, vector<16xf32>,
          %parallel_loop3A_603 = vector.bitcast %parallel_loop3A_602 : vector<16xf32> to vector<16xi32>
          %parallel_loop3A_604 = arith.constant 63 : i32
          %parallel_loop3A_605 = arith.constant -1 : i32
          %parallel_loop3A_606 = arith.xori %parallel_loop3A_604, %parallel_loop3A_605 : i32
          %parallel_loop3A_607 = vector.broadcast %parallel_loop3A_606 : i32 to vector<16xi32>
          %parallel_loop3A_608 = arith.andi %parallel_loop3A_603, %parallel_loop3A_607 : vector<16xi32>
          %parallel_loop3A_609 = arith.constant 63 : i32
          %parallel_loop3A_610 = arith.subi %parallel_loop3A_609, %parallel_loop3A_595 : i32
          %parallel_loop3A_611 = vector.broadcast %parallel_loop3A_610 : i32 to vector<16xi32>
          %parallel_loop3A_612 = arith.ori %parallel_loop3A_608, %parallel_loop3A_611 : vector<16xi32>
          %parallel_loop3A_613 = vector.bitcast %parallel_loop3A_612 : vector<16xi32> to vector<16xf32>
          %parallel_loop3A_614 = arith.constant 8 : i32
          %parallel_loop3A_615 = arith.muli %scan3A_495, %parallel_loop3A_614 : i32
          %parallel_loop3A_616 = arith.constant 5 : i32
          %parallel_loop3A_617 = arith.addi %parallel_loop3A_615, %parallel_loop3A_616 : i32
          %parallel_loop3A_618 = arith.constant 0 : i32
          %parallel_loop3A_619 = arith.constant 0 : i32
          %parallel_loop3A_620 = tpu.memref_slice %arg5[%and3A_24, %parallel_loop3A_618, %parallel_loop3A_619] : memref<2x64x128xf32, #tpu.memory_space<vmem>> -> memref<1x64x128xf32, #tpu.memory_space<vmem>>
          %parallel_loop3A_621 = tpu.memref_squeeze %parallel_loop3A_620 : memref<1x64x128xf32, #tpu.memory_space<vmem>> -> memref<64x128xf32, #tpu.memory_space<vmem>>
          %parallel_loop3A_622 = arith.index_cast %parallel_loop3A_617 : i32 to index
          %parallel_loop3A_623 = arith.index_cast %parallel_loop3A_46 : i32 to index
          %parallel_loop3A_624 = tpu.vector_load %parallel_loop3A_621[%parallel_loop3A_622, %parallel_loop3A_623] {strides = array<i32>} : memref<64x128xf32, #tpu.memory_space<vmem>>, vector<16xf32>,
          %parallel_loop3A_625 = vector.bitcast %parallel_loop3A_624 : vector<16xf32> to vector<16xi32>
          %parallel_loop3A_626 = arith.constant 63 : i32
          %parallel_loop3A_627 = arith.constant -1 : i32
          %parallel_loop3A_628 = arith.xori %parallel_loop3A_626, %parallel_loop3A_627 : i32
          %parallel_loop3A_629 = vector.broadcast %parallel_loop3A_628 : i32 to vector<16xi32>
          %parallel_loop3A_630 = arith.andi %parallel_loop3A_625, %parallel_loop3A_629 : vector<16xi32>
          %parallel_loop3A_631 = arith.constant 63 : i32
          %parallel_loop3A_632 = arith.subi %parallel_loop3A_631, %parallel_loop3A_617 : i32
          %parallel_loop3A_633 = vector.broadcast %parallel_loop3A_632 : i32 to vector<16xi32>
          %parallel_loop3A_634 = arith.ori %parallel_loop3A_630, %parallel_loop3A_633 : vector<16xi32>
          %parallel_loop3A_635 = vector.bitcast %parallel_loop3A_634 : vector<16xi32> to vector<16xf32>
          %parallel_loop3A_636 = arith.constant 8 : i32
          %parallel_loop3A_637 = arith.muli %scan3A_495, %parallel_loop3A_636 : i32
          %parallel_loop3A_638 = arith.constant 6 : i32
          %parallel_loop3A_639 = arith.addi %parallel_loop3A_637, %parallel_loop3A_638 : i32
          %parallel_loop3A_640 = arith.constant 0 : i32
          %parallel_loop3A_641 = arith.constant 0 : i32
          %parallel_loop3A_642 = tpu.memref_slice %arg5[%and3A_24, %parallel_loop3A_640, %parallel_loop3A_641] : memref<2x64x128xf32, #tpu.memory_space<vmem>> -> memref<1x64x128xf32, #tpu.memory_space<vmem>>
          %parallel_loop3A_643 = tpu.memref_squeeze %parallel_loop3A_642 : memref<1x64x128xf32, #tpu.memory_space<vmem>> -> memref<64x128xf32, #tpu.memory_space<vmem>>
          %parallel_loop3A_644 = arith.index_cast %parallel_loop3A_639 : i32 to index
          %parallel_loop3A_645 = arith.index_cast %parallel_loop3A_46 : i32 to index
          %parallel_loop3A_646 = tpu.vector_load %parallel_loop3A_643[%parallel_loop3A_644, %parallel_loop3A_645] {strides = array<i32>} : memref<64x128xf32, #tpu.memory_space<vmem>>, vector<16xf32>,
          %parallel_loop3A_647 = vector.bitcast %parallel_loop3A_646 : vector<16xf32> to vector<16xi32>
          %parallel_loop3A_648 = arith.constant 63 : i32
          %parallel_loop3A_649 = arith.constant -1 : i32
          %parallel_loop3A_650 = arith.xori %parallel_loop3A_648, %parallel_loop3A_649 : i32
          %parallel_loop3A_651 = vector.broadcast %parallel_loop3A_650 : i32 to vector<16xi32>
          %parallel_loop3A_652 = arith.andi %parallel_loop3A_647, %parallel_loop3A_651 : vector<16xi32>
          %parallel_loop3A_653 = arith.constant 63 : i32
          %parallel_loop3A_654 = arith.subi %parallel_loop3A_653, %parallel_loop3A_639 : i32
          %parallel_loop3A_655 = vector.broadcast %parallel_loop3A_654 : i32 to vector<16xi32>
          %parallel_loop3A_656 = arith.ori %parallel_loop3A_652, %parallel_loop3A_655 : vector<16xi32>
          %parallel_loop3A_657 = vector.bitcast %parallel_loop3A_656 : vector<16xi32> to vector<16xf32>
          %parallel_loop3A_658 = arith.constant 8 : i32
          %parallel_loop3A_659 = arith.muli %scan3A_495, %parallel_loop3A_658 : i32
          %parallel_loop3A_660 = arith.constant 7 : i32
          %parallel_loop3A_661 = arith.addi %parallel_loop3A_659, %parallel_loop3A_660 : i32
          %parallel_loop3A_662 = arith.constant 0 : i32
          %parallel_loop3A_663 = arith.constant 0 : i32
          %parallel_loop3A_664 = tpu.memref_slice %arg5[%and3A_24, %parallel_loop3A_662, %parallel_loop3A_663] : memref<2x64x128xf32, #tpu.memory_space<vmem>> -> memref<1x64x128xf32, #tpu.memory_space<vmem>>
          %parallel_loop3A_665 = tpu.memref_squeeze %parallel_loop3A_664 : memref<1x64x128xf32, #tpu.memory_space<vmem>> -> memref<64x128xf32, #tpu.memory_space<vmem>>
          %parallel_loop3A_666 = arith.index_cast %parallel_loop3A_661 : i32 to index
          %parallel_loop3A_667 = arith.index_cast %parallel_loop3A_46 : i32 to index
          %parallel_loop3A_668 = tpu.vector_load %parallel_loop3A_665[%parallel_loop3A_666, %parallel_loop3A_667] {strides = array<i32>} : memref<64x128xf32, #tpu.memory_space<vmem>>, vector<16xf32>,
          %parallel_loop3A_669 = vector.bitcast %parallel_loop3A_668 : vector<16xf32> to vector<16xi32>
          %parallel_loop3A_670 = arith.constant 63 : i32
          %parallel_loop3A_671 = arith.constant -1 : i32
          %parallel_loop3A_672 = arith.xori %parallel_loop3A_670, %parallel_loop3A_671 : i32
          %parallel_loop3A_673 = vector.broadcast %parallel_loop3A_672 : i32 to vector<16xi32>
          %parallel_loop3A_674 = arith.andi %parallel_loop3A_669, %parallel_loop3A_673 : vector<16xi32>
          %parallel_loop3A_675 = arith.constant 63 : i32
          %parallel_loop3A_676 = arith.subi %parallel_loop3A_675, %parallel_loop3A_661 : i32
          %parallel_loop3A_677 = vector.broadcast %parallel_loop3A_676 : i32 to vector<16xi32>
          %parallel_loop3A_678 = arith.ori %parallel_loop3A_674, %parallel_loop3A_677 : vector<16xi32>
          %parallel_loop3A_679 = vector.bitcast %parallel_loop3A_678 : vector<16xi32> to vector<16xf32>
          %parallel_loop3A_680 = arith.maximumf %parallel_loop3A_525, %parallel_loop3A_547 : vector<16xf32>
          %parallel_loop3A_681 = arith.minimumf %parallel_loop3A_525, %parallel_loop3A_547 : vector<16xf32>
          %parallel_loop3A_682 = arith.maximumf %parallel_loop3A_569, %parallel_loop3A_591 : vector<16xf32>
          %parallel_loop3A_683 = arith.minimumf %parallel_loop3A_569, %parallel_loop3A_591 : vector<16xf32>
          %parallel_loop3A_684 = arith.maximumf %parallel_loop3A_613, %parallel_loop3A_635 : vector<16xf32>
          %parallel_loop3A_685 = arith.minimumf %parallel_loop3A_613, %parallel_loop3A_635 : vector<16xf32>
          %parallel_loop3A_686 = arith.maximumf %parallel_loop3A_657, %parallel_loop3A_679 : vector<16xf32>
          %parallel_loop3A_687 = arith.minimumf %parallel_loop3A_657, %parallel_loop3A_679 : vector<16xf32>
          %parallel_loop3A_688 = arith.maximumf %parallel_loop3A_680, %parallel_loop3A_682 : vector<16xf32>
          %parallel_loop3A_689 = arith.minimumf %parallel_loop3A_680, %parallel_loop3A_682 : vector<16xf32>
          %parallel_loop3A_690 = arith.maximumf %parallel_loop3A_681, %parallel_loop3A_683 : vector<16xf32>
          %parallel_loop3A_691 = arith.minimumf %parallel_loop3A_681, %parallel_loop3A_683 : vector<16xf32>
          %parallel_loop3A_692 = arith.maximumf %parallel_loop3A_684, %parallel_loop3A_686 : vector<16xf32>
          %parallel_loop3A_693 = arith.minimumf %parallel_loop3A_684, %parallel_loop3A_686 : vector<16xf32>
          %parallel_loop3A_694 = arith.maximumf %parallel_loop3A_685, %parallel_loop3A_687 : vector<16xf32>
          %parallel_loop3A_695 = arith.minimumf %parallel_loop3A_685, %parallel_loop3A_687 : vector<16xf32>
          %parallel_loop3A_696 = arith.maximumf %parallel_loop3A_690, %parallel_loop3A_689 : vector<16xf32>
          %parallel_loop3A_697 = arith.minimumf %parallel_loop3A_690, %parallel_loop3A_689 : vector<16xf32>
          %parallel_loop3A_698 = arith.maximumf %parallel_loop3A_694, %parallel_loop3A_693 : vector<16xf32>
          %parallel_loop3A_699 = arith.minimumf %parallel_loop3A_694, %parallel_loop3A_693 : vector<16xf32>
          %parallel_loop3A_700 = arith.maximumf %parallel_loop3A_688, %parallel_loop3A_692 : vector<16xf32>
          %parallel_loop3A_701 = arith.minimumf %parallel_loop3A_688, %parallel_loop3A_692 : vector<16xf32>
          %parallel_loop3A_702 = arith.maximumf %parallel_loop3A_691, %parallel_loop3A_695 : vector<16xf32>
          %parallel_loop3A_703 = arith.minimumf %parallel_loop3A_691, %parallel_loop3A_695 : vector<16xf32>
          %parallel_loop3A_704 = arith.maximumf %parallel_loop3A_696, %parallel_loop3A_698 : vector<16xf32>
          %parallel_loop3A_705 = arith.minimumf %parallel_loop3A_696, %parallel_loop3A_698 : vector<16xf32>
          %parallel_loop3A_706 = arith.maximumf %parallel_loop3A_697, %parallel_loop3A_699 : vector<16xf32>
          %parallel_loop3A_707 = arith.minimumf %parallel_loop3A_697, %parallel_loop3A_699 : vector<16xf32>
          %parallel_loop3A_708 = arith.maximumf %parallel_loop3A_704, %parallel_loop3A_701 : vector<16xf32>
          %parallel_loop3A_709 = arith.minimumf %parallel_loop3A_704, %parallel_loop3A_701 : vector<16xf32>
          %parallel_loop3A_710 = arith.maximumf %parallel_loop3A_702, %parallel_loop3A_707 : vector<16xf32>
          %parallel_loop3A_711 = arith.minimumf %parallel_loop3A_702, %parallel_loop3A_707 : vector<16xf32>
          %parallel_loop3A_712 = arith.maximumf %parallel_loop3A_706, %parallel_loop3A_709 : vector<16xf32>
          %parallel_loop3A_713 = arith.minimumf %parallel_loop3A_706, %parallel_loop3A_709 : vector<16xf32>
          %parallel_loop3A_714 = arith.maximumf %parallel_loop3A_710, %parallel_loop3A_705 : vector<16xf32>
          %parallel_loop3A_715 = arith.minimumf %parallel_loop3A_710, %parallel_loop3A_705 : vector<16xf32>
          %parallel_loop3A_716 = arith.maximumf %parallel_loop3A_714, %parallel_loop3A_713 : vector<16xf32>
          %parallel_loop3A_717 = arith.minimumf %parallel_loop3A_714, %parallel_loop3A_713 : vector<16xf32>
          %parallel_loop3A_718 = arith.maximumf %scan3A_496, %parallel_loop3A_703 : vector<16xf32>
          %parallel_loop3A_719 = arith.maximumf %scan3A_497, %parallel_loop3A_711 : vector<16xf32>
          %parallel_loop3A_720 = arith.maximumf %scan3A_498, %parallel_loop3A_715 : vector<16xf32>
          %parallel_loop3A_721 = arith.maximumf %scan3A_499, %parallel_loop3A_717 : vector<16xf32>
          %parallel_loop3A_722 = arith.maximumf %scan3A_500, %parallel_loop3A_716 : vector<16xf32>
          %parallel_loop3A_723 = arith.maximumf %scan3A_501, %parallel_loop3A_712 : vector<16xf32>
          %parallel_loop3A_724 = arith.maximumf %scan3A_502, %parallel_loop3A_708 : vector<16xf32>
          %parallel_loop3A_725 = arith.maximumf %scan3A_503, %parallel_loop3A_700 : vector<16xf32>
          %parallel_loop3A_726 = arith.maximumf %parallel_loop3A_718, %parallel_loop3A_722 : vector<16xf32>
          %parallel_loop3A_727 = arith.minimumf %parallel_loop3A_718, %parallel_loop3A_722 : vector<16xf32>
          %parallel_loop3A_728 = arith.maximumf %parallel_loop3A_719, %parallel_loop3A_723 : vector<16xf32>
          %parallel_loop3A_729 = arith.minimumf %parallel_loop3A_719, %parallel_loop3A_723 : vector<16xf32>
          %parallel_loop3A_730 = arith.maximumf %parallel_loop3A_720, %parallel_loop3A_724 : vector<16xf32>
          %parallel_loop3A_731 = arith.minimumf %parallel_loop3A_720, %parallel_loop3A_724 : vector<16xf32>
          %parallel_loop3A_732 = arith.maximumf %parallel_loop3A_721, %parallel_loop3A_725 : vector<16xf32>
          %parallel_loop3A_733 = arith.minimumf %parallel_loop3A_721, %parallel_loop3A_725 : vector<16xf32>
          %parallel_loop3A_734 = arith.maximumf %parallel_loop3A_726, %parallel_loop3A_730 : vector<16xf32>
          %parallel_loop3A_735 = arith.minimumf %parallel_loop3A_726, %parallel_loop3A_730 : vector<16xf32>
          %parallel_loop3A_736 = arith.maximumf %parallel_loop3A_728, %parallel_loop3A_732 : vector<16xf32>
          %parallel_loop3A_737 = arith.minimumf %parallel_loop3A_728, %parallel_loop3A_732 : vector<16xf32>
          %parallel_loop3A_738 = arith.maximumf %parallel_loop3A_727, %parallel_loop3A_731 : vector<16xf32>
          %parallel_loop3A_739 = arith.minimumf %parallel_loop3A_727, %parallel_loop3A_731 : vector<16xf32>
          %parallel_loop3A_740 = arith.maximumf %parallel_loop3A_729, %parallel_loop3A_733 : vector<16xf32>
          %parallel_loop3A_741 = arith.minimumf %parallel_loop3A_729, %parallel_loop3A_733 : vector<16xf32>
          %parallel_loop3A_742 = arith.maximumf %parallel_loop3A_734, %parallel_loop3A_736 : vector<16xf32>
          %parallel_loop3A_743 = arith.minimumf %parallel_loop3A_734, %parallel_loop3A_736 : vector<16xf32>
          %parallel_loop3A_744 = arith.maximumf %parallel_loop3A_735, %parallel_loop3A_737 : vector<16xf32>
          %parallel_loop3A_745 = arith.minimumf %parallel_loop3A_735, %parallel_loop3A_737 : vector<16xf32>
          %parallel_loop3A_746 = arith.maximumf %parallel_loop3A_738, %parallel_loop3A_740 : vector<16xf32>
          %parallel_loop3A_747 = arith.minimumf %parallel_loop3A_738, %parallel_loop3A_740 : vector<16xf32>
          %parallel_loop3A_748 = arith.maximumf %parallel_loop3A_739, %parallel_loop3A_741 : vector<16xf32>
          %parallel_loop3A_749 = arith.minimumf %parallel_loop3A_739, %parallel_loop3A_741 : vector<16xf32>
          scf.yield %parallel_loop3A_742, %parallel_loop3A_743, %parallel_loop3A_744, %parallel_loop3A_745, %parallel_loop3A_746, %parallel_loop3A_747, %parallel_loop3A_748, %parallel_loop3A_749 : vector<16xf32>, vector<16xf32>, vector<16xf32>, vector<16xf32>, vector<16xf32>, vector<16xf32>, vector<16xf32>, vector<16xf32>
        }
        %parallel_loop3A_234 = arith.constant 7 : i32
        %parallel_loop3A_235 = vector.broadcast %parallel_loop3A_46 : i32 to vector<16xi32>
        %parallel_loop3A_236 = arith.addi %parallel_loop3A_235, %iota3A : vector<16xi32>
        %parallel_loop3A_237 = vector.bitcast %parallel_loop3A_233#0 : vector<16xf32> to vector<16xi32>
        %parallel_loop3A_238 = arith.constant 63 : i32
        %parallel_loop3A_239 = vector.broadcast %parallel_loop3A_238 : i32 to vector<16xi32>
        %parallel_loop3A_240 = arith.andi %parallel_loop3A_237, %parallel_loop3A_239 : vector<16xi32>
        %parallel_loop3A_241 = arith.constant 63 : i32
        %parallel_loop3A_242 = vector.broadcast %parallel_loop3A_241 : i32 to vector<16xi32>
        %parallel_loop3A_243 = arith.subi %parallel_loop3A_242, %parallel_loop3A_240 : vector<16xi32>
        %parallel_loop3A_244 = arith.constant 0 : i32
        %parallel_loop3A_245 = arith.constant 0 : i32
        %parallel_loop3A_246 = tpu.memref_slice %arg5[%and3A_24, %parallel_loop3A_244, %parallel_loop3A_245] : memref<2x64x128xf32, #tpu.memory_space<vmem>> -> memref<1x64x128xf32, #tpu.memory_space<vmem>>
        %parallel_loop3A_247 = tpu.memref_squeeze %parallel_loop3A_246 : memref<1x64x128xf32, #tpu.memory_space<vmem>> -> memref<64x128xf32, #tpu.memory_space<vmem>>
        %parallel_loop3A_248 = tpu.vector_load_idx %parallel_loop3A_247[%parallel_loop3A_243, %parallel_loop3A_236] : memref<64x128xf32, #tpu.memory_space<vmem>>[vector<16xi32>, vector<16xi32>], vector<16xf32>,
        %parallel_loop3A_249 = vector.bitcast %parallel_loop3A_233#1 : vector<16xf32> to vector<16xi32>
        %parallel_loop3A_250 = arith.constant 63 : i32
        %parallel_loop3A_251 = vector.broadcast %parallel_loop3A_250 : i32 to vector<16xi32>
        %parallel_loop3A_252 = arith.andi %parallel_loop3A_249, %parallel_loop3A_251 : vector<16xi32>
        %parallel_loop3A_253 = arith.constant 63 : i32
        %parallel_loop3A_254 = vector.broadcast %parallel_loop3A_253 : i32 to vector<16xi32>
        %parallel_loop3A_255 = arith.subi %parallel_loop3A_254, %parallel_loop3A_252 : vector<16xi32>
        %parallel_loop3A_256 = arith.constant 0 : i32
        %parallel_loop3A_257 = arith.constant 0 : i32
        %parallel_loop3A_258 = tpu.memref_slice %arg5[%and3A_24, %parallel_loop3A_256, %parallel_loop3A_257] : memref<2x64x128xf32, #tpu.memory_space<vmem>> -> memref<1x64x128xf32, #tpu.memory_space<vmem>>
        %parallel_loop3A_259 = tpu.memref_squeeze %parallel_loop3A_258 : memref<1x64x128xf32, #tpu.memory_space<vmem>> -> memref<64x128xf32, #tpu.memory_space<vmem>>
        %parallel_loop3A_260 = tpu.vector_load_idx %parallel_loop3A_259[%parallel_loop3A_255, %parallel_loop3A_236] : memref<64x128xf32, #tpu.memory_space<vmem>>[vector<16xi32>, vector<16xi32>], vector<16xf32>,
        %parallel_loop3A_261 = vector.bitcast %parallel_loop3A_233#2 : vector<16xf32> to vector<16xi32>
        %parallel_loop3A_262 = arith.constant 63 : i32
        %parallel_loop3A_263 = vector.broadcast %parallel_loop3A_262 : i32 to vector<16xi32>
        %parallel_loop3A_264 = arith.andi %parallel_loop3A_261, %parallel_loop3A_263 : vector<16xi32>
        %parallel_loop3A_265 = arith.constant 63 : i32
        %parallel_loop3A_266 = vector.broadcast %parallel_loop3A_265 : i32 to vector<16xi32>
        %parallel_loop3A_267 = arith.subi %parallel_loop3A_266, %parallel_loop3A_264 : vector<16xi32>
        %parallel_loop3A_268 = arith.constant 0 : i32
        %parallel_loop3A_269 = arith.constant 0 : i32
        %parallel_loop3A_270 = tpu.memref_slice %arg5[%and3A_24, %parallel_loop3A_268, %parallel_loop3A_269] : memref<2x64x128xf32, #tpu.memory_space<vmem>> -> memref<1x64x128xf32, #tpu.memory_space<vmem>>
        %parallel_loop3A_271 = tpu.memref_squeeze %parallel_loop3A_270 : memref<1x64x128xf32, #tpu.memory_space<vmem>> -> memref<64x128xf32, #tpu.memory_space<vmem>>
        %parallel_loop3A_272 = tpu.vector_load_idx %parallel_loop3A_271[%parallel_loop3A_267, %parallel_loop3A_236] : memref<64x128xf32, #tpu.memory_space<vmem>>[vector<16xi32>, vector<16xi32>], vector<16xf32>,
        %parallel_loop3A_273 = vector.bitcast %parallel_loop3A_233#3 : vector<16xf32> to vector<16xi32>
        %parallel_loop3A_274 = arith.constant 63 : i32
        %parallel_loop3A_275 = vector.broadcast %parallel_loop3A_274 : i32 to vector<16xi32>
        %parallel_loop3A_276 = arith.andi %parallel_loop3A_273, %parallel_loop3A_275 : vector<16xi32>
        %parallel_loop3A_277 = arith.constant 63 : i32
        %parallel_loop3A_278 = vector.broadcast %parallel_loop3A_277 : i32 to vector<16xi32>
        %parallel_loop3A_279 = arith.subi %parallel_loop3A_278, %parallel_loop3A_276 : vector<16xi32>
        %parallel_loop3A_280 = arith.constant 0 : i32
        %parallel_loop3A_281 = arith.constant 0 : i32
        %parallel_loop3A_282 = tpu.memref_slice %arg5[%and3A_24, %parallel_loop3A_280, %parallel_loop3A_281] : memref<2x64x128xf32, #tpu.memory_space<vmem>> -> memref<1x64x128xf32, #tpu.memory_space<vmem>>
        %parallel_loop3A_283 = tpu.memref_squeeze %parallel_loop3A_282 : memref<1x64x128xf32, #tpu.memory_space<vmem>> -> memref<64x128xf32, #tpu.memory_space<vmem>>
        %parallel_loop3A_284 = tpu.vector_load_idx %parallel_loop3A_283[%parallel_loop3A_279, %parallel_loop3A_236] : memref<64x128xf32, #tpu.memory_space<vmem>>[vector<16xi32>, vector<16xi32>], vector<16xf32>,
        %parallel_loop3A_285 = vector.bitcast %parallel_loop3A_233#4 : vector<16xf32> to vector<16xi32>
        %parallel_loop3A_286 = arith.constant 63 : i32
        %parallel_loop3A_287 = vector.broadcast %parallel_loop3A_286 : i32 to vector<16xi32>
        %parallel_loop3A_288 = arith.andi %parallel_loop3A_285, %parallel_loop3A_287 : vector<16xi32>
        %parallel_loop3A_289 = arith.constant 63 : i32
        %parallel_loop3A_290 = vector.broadcast %parallel_loop3A_289 : i32 to vector<16xi32>
        %parallel_loop3A_291 = arith.subi %parallel_loop3A_290, %parallel_loop3A_288 : vector<16xi32>
        %parallel_loop3A_292 = arith.constant 0 : i32
        %parallel_loop3A_293 = arith.constant 0 : i32
        %parallel_loop3A_294 = tpu.memref_slice %arg5[%and3A_24, %parallel_loop3A_292, %parallel_loop3A_293] : memref<2x64x128xf32, #tpu.memory_space<vmem>> -> memref<1x64x128xf32, #tpu.memory_space<vmem>>
        %parallel_loop3A_295 = tpu.memref_squeeze %parallel_loop3A_294 : memref<1x64x128xf32, #tpu.memory_space<vmem>> -> memref<64x128xf32, #tpu.memory_space<vmem>>
        %parallel_loop3A_296 = tpu.vector_load_idx %parallel_loop3A_295[%parallel_loop3A_291, %parallel_loop3A_236] : memref<64x128xf32, #tpu.memory_space<vmem>>[vector<16xi32>, vector<16xi32>], vector<16xf32>,
        %parallel_loop3A_297 = vector.bitcast %parallel_loop3A_233#5 : vector<16xf32> to vector<16xi32>
        %parallel_loop3A_298 = arith.constant 63 : i32
        %parallel_loop3A_299 = vector.broadcast %parallel_loop3A_298 : i32 to vector<16xi32>
        %parallel_loop3A_300 = arith.andi %parallel_loop3A_297, %parallel_loop3A_299 : vector<16xi32>
        %parallel_loop3A_301 = arith.constant 63 : i32
        %parallel_loop3A_302 = vector.broadcast %parallel_loop3A_301 : i32 to vector<16xi32>
        %parallel_loop3A_303 = arith.subi %parallel_loop3A_302, %parallel_loop3A_300 : vector<16xi32>
        %parallel_loop3A_304 = arith.constant 0 : i32
        %parallel_loop3A_305 = arith.constant 0 : i32
        %parallel_loop3A_306 = tpu.memref_slice %arg5[%and3A_24, %parallel_loop3A_304, %parallel_loop3A_305] : memref<2x64x128xf32, #tpu.memory_space<vmem>> -> memref<1x64x128xf32, #tpu.memory_space<vmem>>
        %parallel_loop3A_307 = tpu.memref_squeeze %parallel_loop3A_306 : memref<1x64x128xf32, #tpu.memory_space<vmem>> -> memref<64x128xf32, #tpu.memory_space<vmem>>
        %parallel_loop3A_308 = tpu.vector_load_idx %parallel_loop3A_307[%parallel_loop3A_303, %parallel_loop3A_236] : memref<64x128xf32, #tpu.memory_space<vmem>>[vector<16xi32>, vector<16xi32>], vector<16xf32>,
        %parallel_loop3A_309 = vector.bitcast %parallel_loop3A_233#6 : vector<16xf32> to vector<16xi32>
        %parallel_loop3A_310 = arith.constant 63 : i32
        %parallel_loop3A_311 = vector.broadcast %parallel_loop3A_310 : i32 to vector<16xi32>
        %parallel_loop3A_312 = arith.andi %parallel_loop3A_309, %parallel_loop3A_311 : vector<16xi32>
        %parallel_loop3A_313 = arith.constant 63 : i32
        %parallel_loop3A_314 = vector.broadcast %parallel_loop3A_313 : i32 to vector<16xi32>
        %parallel_loop3A_315 = arith.subi %parallel_loop3A_314, %parallel_loop3A_312 : vector<16xi32>
        %parallel_loop3A_316 = arith.constant 0 : i32
        %parallel_loop3A_317 = arith.constant 0 : i32
        %parallel_loop3A_318 = tpu.memref_slice %arg5[%and3A_24, %parallel_loop3A_316, %parallel_loop3A_317] : memref<2x64x128xf32, #tpu.memory_space<vmem>> -> memref<1x64x128xf32, #tpu.memory_space<vmem>>
        %parallel_loop3A_319 = tpu.memref_squeeze %parallel_loop3A_318 : memref<1x64x128xf32, #tpu.memory_space<vmem>> -> memref<64x128xf32, #tpu.memory_space<vmem>>
        %parallel_loop3A_320 = tpu.vector_load_idx %parallel_loop3A_319[%parallel_loop3A_315, %parallel_loop3A_236] : memref<64x128xf32, #tpu.memory_space<vmem>>[vector<16xi32>, vector<16xi32>], vector<16xf32>,
        %parallel_loop3A_321 = vector.bitcast %parallel_loop3A_233#7 : vector<16xf32> to vector<16xi32>
        %parallel_loop3A_322 = arith.constant 63 : i32
        %parallel_loop3A_323 = vector.broadcast %parallel_loop3A_322 : i32 to vector<16xi32>
        %parallel_loop3A_324 = arith.andi %parallel_loop3A_321, %parallel_loop3A_323 : vector<16xi32>
        %parallel_loop3A_325 = arith.constant 63 : i32
        %parallel_loop3A_326 = vector.broadcast %parallel_loop3A_325 : i32 to vector<16xi32>
        %parallel_loop3A_327 = arith.subi %parallel_loop3A_326, %parallel_loop3A_324 : vector<16xi32>
        %parallel_loop3A_328 = arith.constant 0 : i32
        %parallel_loop3A_329 = arith.constant 0 : i32
        %parallel_loop3A_330 = tpu.memref_slice %arg5[%and3A_24, %parallel_loop3A_328, %parallel_loop3A_329] : memref<2x64x128xf32, #tpu.memory_space<vmem>> -> memref<1x64x128xf32, #tpu.memory_space<vmem>>
        %parallel_loop3A_331 = tpu.memref_squeeze %parallel_loop3A_330 : memref<1x64x128xf32, #tpu.memory_space<vmem>> -> memref<64x128xf32, #tpu.memory_space<vmem>>
        %parallel_loop3A_332 = tpu.vector_load_idx %parallel_loop3A_331[%parallel_loop3A_327, %parallel_loop3A_236] : memref<64x128xf32, #tpu.memory_space<vmem>>[vector<16xi32>, vector<16xi32>], vector<16xf32>,
        %parallel_loop3A_333 = arith.cmpf oge, %parallel_loop3A_248, %parallel_loop3A_260 : vector<16xf32>
        %parallel_loop3A_334 = arith.select %parallel_loop3A_333, %parallel_loop3A_248, %parallel_loop3A_260 : vector<16xi1>, vector<16xf32>
        %parallel_loop3A_335 = arith.select %parallel_loop3A_333, %parallel_loop3A_243, %parallel_loop3A_255 : vector<16xi1>, vector<16xi32>
        %parallel_loop3A_336 = arith.select %parallel_loop3A_333, %parallel_loop3A_260, %parallel_loop3A_248 : vector<16xi1>, vector<16xf32>
        %parallel_loop3A_337 = arith.select %parallel_loop3A_333, %parallel_loop3A_255, %parallel_loop3A_243 : vector<16xi1>, vector<16xi32>
        %parallel_loop3A_338 = arith.cmpf oge, %parallel_loop3A_272, %parallel_loop3A_284 : vector<16xf32>
        %parallel_loop3A_339 = arith.select %parallel_loop3A_338, %parallel_loop3A_272, %parallel_loop3A_284 : vector<16xi1>, vector<16xf32>
        %parallel_loop3A_340 = arith.select %parallel_loop3A_338, %parallel_loop3A_267, %parallel_loop3A_279 : vector<16xi1>, vector<16xi32>
        %parallel_loop3A_341 = arith.select %parallel_loop3A_338, %parallel_loop3A_284, %parallel_loop3A_272 : vector<16xi1>, vector<16xf32>
        %parallel_loop3A_342 = arith.select %parallel_loop3A_338, %parallel_loop3A_279, %parallel_loop3A_267 : vector<16xi1>, vector<16xi32>
        %parallel_loop3A_343 = arith.cmpf oge, %parallel_loop3A_296, %parallel_loop3A_308 : vector<16xf32>
        %parallel_loop3A_344 = arith.select %parallel_loop3A_343, %parallel_loop3A_296, %parallel_loop3A_308 : vector<16xi1>, vector<16xf32>
        %parallel_loop3A_345 = arith.select %parallel_loop3A_343, %parallel_loop3A_291, %parallel_loop3A_303 : vector<16xi1>, vector<16xi32>
        %parallel_loop3A_346 = arith.select %parallel_loop3A_343, %parallel_loop3A_308, %parallel_loop3A_296 : vector<16xi1>, vector<16xf32>
        %parallel_loop3A_347 = arith.select %parallel_loop3A_343, %parallel_loop3A_303, %parallel_loop3A_291 : vector<16xi1>, vector<16xi32>
        %parallel_loop3A_348 = arith.cmpf oge, %parallel_loop3A_320, %parallel_loop3A_332 : vector<16xf32>
        %parallel_loop3A_349 = arith.select %parallel_loop3A_348, %parallel_loop3A_320, %parallel_loop3A_332 : vector<16xi1>, vector<16xf32>
        %parallel_loop3A_350 = arith.select %parallel_loop3A_348, %parallel_loop3A_315, %parallel_loop3A_327 : vector<16xi1>, vector<16xi32>
        %parallel_loop3A_351 = arith.select %parallel_loop3A_348, %parallel_loop3A_332, %parallel_loop3A_320 : vector<16xi1>, vector<16xf32>
        %parallel_loop3A_352 = arith.select %parallel_loop3A_348, %parallel_loop3A_327, %parallel_loop3A_315 : vector<16xi1>, vector<16xi32>
        %parallel_loop3A_353 = arith.cmpf oge, %parallel_loop3A_334, %parallel_loop3A_339 : vector<16xf32>
        %parallel_loop3A_354 = arith.select %parallel_loop3A_353, %parallel_loop3A_334, %parallel_loop3A_339 : vector<16xi1>, vector<16xf32>
        %parallel_loop3A_355 = arith.select %parallel_loop3A_353, %parallel_loop3A_335, %parallel_loop3A_340 : vector<16xi1>, vector<16xi32>
        %parallel_loop3A_356 = arith.select %parallel_loop3A_353, %parallel_loop3A_339, %parallel_loop3A_334 : vector<16xi1>, vector<16xf32>
        %parallel_loop3A_357 = arith.select %parallel_loop3A_353, %parallel_loop3A_340, %parallel_loop3A_335 : vector<16xi1>, vector<16xi32>
        %parallel_loop3A_358 = arith.cmpf oge, %parallel_loop3A_336, %parallel_loop3A_341 : vector<16xf32>
        %parallel_loop3A_359 = arith.select %parallel_loop3A_358, %parallel_loop3A_336, %parallel_loop3A_341 : vector<16xi1>, vector<16xf32>
        %parallel_loop3A_360 = arith.select %parallel_loop3A_358, %parallel_loop3A_337, %parallel_loop3A_342 : vector<16xi1>, vector<16xi32>
        %parallel_loop3A_361 = arith.select %parallel_loop3A_358, %parallel_loop3A_341, %parallel_loop3A_336 : vector<16xi1>, vector<16xf32>
        %parallel_loop3A_362 = arith.select %parallel_loop3A_358, %parallel_loop3A_342, %parallel_loop3A_337 : vector<16xi1>, vector<16xi32>
        %parallel_loop3A_363 = arith.cmpf oge, %parallel_loop3A_344, %parallel_loop3A_349 : vector<16xf32>
        %parallel_loop3A_364 = arith.select %parallel_loop3A_363, %parallel_loop3A_344, %parallel_loop3A_349 : vector<16xi1>, vector<16xf32>
        %parallel_loop3A_365 = arith.select %parallel_loop3A_363, %parallel_loop3A_345, %parallel_loop3A_350 : vector<16xi1>, vector<16xi32>
        %parallel_loop3A_366 = arith.select %parallel_loop3A_363, %parallel_loop3A_349, %parallel_loop3A_344 : vector<16xi1>, vector<16xf32>
        %parallel_loop3A_367 = arith.select %parallel_loop3A_363, %parallel_loop3A_350, %parallel_loop3A_345 : vector<16xi1>, vector<16xi32>
        %parallel_loop3A_368 = arith.cmpf oge, %parallel_loop3A_346, %parallel_loop3A_351 : vector<16xf32>
        %parallel_loop3A_369 = arith.select %parallel_loop3A_368, %parallel_loop3A_346, %parallel_loop3A_351 : vector<16xi1>, vector<16xf32>
        %parallel_loop3A_370 = arith.select %parallel_loop3A_368, %parallel_loop3A_347, %parallel_loop3A_352 : vector<16xi1>, vector<16xi32>
        %parallel_loop3A_371 = arith.select %parallel_loop3A_368, %parallel_loop3A_351, %parallel_loop3A_346 : vector<16xi1>, vector<16xf32>
        %parallel_loop3A_372 = arith.select %parallel_loop3A_368, %parallel_loop3A_352, %parallel_loop3A_347 : vector<16xi1>, vector<16xi32>
        %parallel_loop3A_373 = arith.cmpf oge, %parallel_loop3A_359, %parallel_loop3A_356 : vector<16xf32>
        %parallel_loop3A_374 = arith.select %parallel_loop3A_373, %parallel_loop3A_359, %parallel_loop3A_356 : vector<16xi1>, vector<16xf32>
        %parallel_loop3A_375 = arith.select %parallel_loop3A_373, %parallel_loop3A_360, %parallel_loop3A_357 : vector<16xi1>, vector<16xi32>
        %parallel_loop3A_376 = arith.select %parallel_loop3A_373, %parallel_loop3A_356, %parallel_loop3A_359 : vector<16xi1>, vector<16xf32>
        %parallel_loop3A_377 = arith.select %parallel_loop3A_373, %parallel_loop3A_357, %parallel_loop3A_360 : vector<16xi1>, vector<16xi32>
        %parallel_loop3A_378 = arith.cmpf oge, %parallel_loop3A_369, %parallel_loop3A_366 : vector<16xf32>
        %parallel_loop3A_379 = arith.select %parallel_loop3A_378, %parallel_loop3A_369, %parallel_loop3A_366 : vector<16xi1>, vector<16xf32>
        %parallel_loop3A_380 = arith.select %parallel_loop3A_378, %parallel_loop3A_370, %parallel_loop3A_367 : vector<16xi1>, vector<16xi32>
        %parallel_loop3A_381 = arith.select %parallel_loop3A_378, %parallel_loop3A_366, %parallel_loop3A_369 : vector<16xi1>, vector<16xf32>
        %parallel_loop3A_382 = arith.select %parallel_loop3A_378, %parallel_loop3A_367, %parallel_loop3A_370 : vector<16xi1>, vector<16xi32>
        %parallel_loop3A_383 = arith.cmpf oge, %parallel_loop3A_354, %parallel_loop3A_364 : vector<16xf32>
        %parallel_loop3A_384 = arith.select %parallel_loop3A_383, %parallel_loop3A_354, %parallel_loop3A_364 : vector<16xi1>, vector<16xf32>
        %parallel_loop3A_385 = arith.select %parallel_loop3A_383, %parallel_loop3A_355, %parallel_loop3A_365 : vector<16xi1>, vector<16xi32>
        %parallel_loop3A_386 = arith.select %parallel_loop3A_383, %parallel_loop3A_364, %parallel_loop3A_354 : vector<16xi1>, vector<16xf32>
        %parallel_loop3A_387 = arith.select %parallel_loop3A_383, %parallel_loop3A_365, %parallel_loop3A_355 : vector<16xi1>, vector<16xi32>
        %parallel_loop3A_388 = arith.cmpf oge, %parallel_loop3A_361, %parallel_loop3A_371 : vector<16xf32>
        %parallel_loop3A_389 = arith.select %parallel_loop3A_388, %parallel_loop3A_361, %parallel_loop3A_371 : vector<16xi1>, vector<16xf32>
        %parallel_loop3A_390 = arith.select %parallel_loop3A_388, %parallel_loop3A_362, %parallel_loop3A_372 : vector<16xi1>, vector<16xi32>
        %parallel_loop3A_391 = arith.select %parallel_loop3A_388, %parallel_loop3A_371, %parallel_loop3A_361 : vector<16xi1>, vector<16xf32>
        %parallel_loop3A_392 = arith.select %parallel_loop3A_388, %parallel_loop3A_372, %parallel_loop3A_362 : vector<16xi1>, vector<16xi32>
        %parallel_loop3A_393 = arith.cmpf oge, %parallel_loop3A_374, %parallel_loop3A_379 : vector<16xf32>
        %parallel_loop3A_394 = arith.select %parallel_loop3A_393, %parallel_loop3A_374, %parallel_loop3A_379 : vector<16xi1>, vector<16xf32>
        %parallel_loop3A_395 = arith.select %parallel_loop3A_393, %parallel_loop3A_375, %parallel_loop3A_380 : vector<16xi1>, vector<16xi32>
        %parallel_loop3A_396 = arith.select %parallel_loop3A_393, %parallel_loop3A_379, %parallel_loop3A_374 : vector<16xi1>, vector<16xf32>
        %parallel_loop3A_397 = arith.select %parallel_loop3A_393, %parallel_loop3A_380, %parallel_loop3A_375 : vector<16xi1>, vector<16xi32>
        %parallel_loop3A_398 = arith.cmpf oge, %parallel_loop3A_376, %parallel_loop3A_381 : vector<16xf32>
        %parallel_loop3A_399 = arith.select %parallel_loop3A_398, %parallel_loop3A_376, %parallel_loop3A_381 : vector<16xi1>, vector<16xf32>
        %parallel_loop3A_400 = arith.select %parallel_loop3A_398, %parallel_loop3A_377, %parallel_loop3A_382 : vector<16xi1>, vector<16xi32>
        %parallel_loop3A_401 = arith.select %parallel_loop3A_398, %parallel_loop3A_381, %parallel_loop3A_376 : vector<16xi1>, vector<16xf32>
        %parallel_loop3A_402 = arith.select %parallel_loop3A_398, %parallel_loop3A_382, %parallel_loop3A_377 : vector<16xi1>, vector<16xi32>
        %parallel_loop3A_403 = arith.cmpf oge, %parallel_loop3A_394, %parallel_loop3A_386 : vector<16xf32>
        %parallel_loop3A_404 = arith.select %parallel_loop3A_403, %parallel_loop3A_394, %parallel_loop3A_386 : vector<16xi1>, vector<16xf32>
        %parallel_loop3A_405 = arith.select %parallel_loop3A_403, %parallel_loop3A_395, %parallel_loop3A_387 : vector<16xi1>, vector<16xi32>
        %parallel_loop3A_406 = arith.select %parallel_loop3A_403, %parallel_loop3A_386, %parallel_loop3A_394 : vector<16xi1>, vector<16xf32>
        %parallel_loop3A_407 = arith.select %parallel_loop3A_403, %parallel_loop3A_387, %parallel_loop3A_395 : vector<16xi1>, vector<16xi32>
        %parallel_loop3A_408 = arith.cmpf oge, %parallel_loop3A_389, %parallel_loop3A_401 : vector<16xf32>
        %parallel_loop3A_409 = arith.select %parallel_loop3A_408, %parallel_loop3A_389, %parallel_loop3A_401 : vector<16xi1>, vector<16xf32>
        %parallel_loop3A_410 = arith.select %parallel_loop3A_408, %parallel_loop3A_390, %parallel_loop3A_402 : vector<16xi1>, vector<16xi32>
        %parallel_loop3A_411 = arith.select %parallel_loop3A_408, %parallel_loop3A_401, %parallel_loop3A_389 : vector<16xi1>, vector<16xf32>
        %parallel_loop3A_412 = arith.select %parallel_loop3A_408, %parallel_loop3A_402, %parallel_loop3A_390 : vector<16xi1>, vector<16xi32>
        %parallel_loop3A_413 = arith.cmpf oge, %parallel_loop3A_399, %parallel_loop3A_406 : vector<16xf32>
        %parallel_loop3A_414 = arith.select %parallel_loop3A_413, %parallel_loop3A_399, %parallel_loop3A_406 : vector<16xi1>, vector<16xf32>
        %parallel_loop3A_415 = arith.select %parallel_loop3A_413, %parallel_loop3A_400, %parallel_loop3A_407 : vector<16xi1>, vector<16xi32>
        %parallel_loop3A_416 = arith.select %parallel_loop3A_413, %parallel_loop3A_406, %parallel_loop3A_399 : vector<16xi1>, vector<16xf32>
        %parallel_loop3A_417 = arith.select %parallel_loop3A_413, %parallel_loop3A_407, %parallel_loop3A_400 : vector<16xi1>, vector<16xi32>
        %parallel_loop3A_418 = arith.cmpf oge, %parallel_loop3A_409, %parallel_loop3A_396 : vector<16xf32>
        %parallel_loop3A_419 = arith.select %parallel_loop3A_418, %parallel_loop3A_409, %parallel_loop3A_396 : vector<16xi1>, vector<16xf32>
        %parallel_loop3A_420 = arith.select %parallel_loop3A_418, %parallel_loop3A_410, %parallel_loop3A_397 : vector<16xi1>, vector<16xi32>
        %parallel_loop3A_421 = arith.select %parallel_loop3A_418, %parallel_loop3A_396, %parallel_loop3A_409 : vector<16xi1>, vector<16xf32>
        %parallel_loop3A_422 = arith.select %parallel_loop3A_418, %parallel_loop3A_397, %parallel_loop3A_410 : vector<16xi1>, vector<16xi32>
        %parallel_loop3A_423 = arith.cmpf oge, %parallel_loop3A_419, %parallel_loop3A_416 : vector<16xf32>
        %parallel_loop3A_424 = arith.select %parallel_loop3A_423, %parallel_loop3A_419, %parallel_loop3A_416 : vector<16xi1>, vector<16xf32>
        %parallel_loop3A_425 = arith.select %parallel_loop3A_423, %parallel_loop3A_420, %parallel_loop3A_417 : vector<16xi1>, vector<16xi32>
        %parallel_loop3A_426 = arith.select %parallel_loop3A_423, %parallel_loop3A_416, %parallel_loop3A_419 : vector<16xi1>, vector<16xf32>
        %parallel_loop3A_427 = arith.select %parallel_loop3A_423, %parallel_loop3A_417, %parallel_loop3A_420 : vector<16xi1>, vector<16xi32>
        %parallel_loop3A_428 = arith.constant 128 : i32
        %parallel_loop3A_429 = arith.muli %scan3A_23, %parallel_loop3A_428 : i32
        %parallel_loop3A_430 = arith.addi %parallel_loop3A_429, %parallel_loop3A_46 : i32
        %parallel_loop3A_431 = arith.constant 0 : i32
        %parallel_loop3A_432 = arith.index_cast %parallel_loop3A_431 : i32 to index
        %parallel_loop3A_433 = arith.index_cast %parallel_loop3A_430 : i32 to index
        %parallel_loop3A_434 = tpu.vector_load %arg6[%parallel_loop3A_432, %parallel_loop3A_433] {strides = array<i32>} : memref<8x1024xf32, #tpu.memory_space<vmem>>, vector<16xf32>,
        tpu.vector_store %arg6[%parallel_loop3A_432, %parallel_loop3A_433], %parallel_loop3A_384 {strides = array<i32>} : memref<8x1024xf32, #tpu.memory_space<vmem>>, vector<16xf32>,
        %parallel_loop3A_435 = arith.constant 0 : i32
        %parallel_loop3A_436 = arith.index_cast %parallel_loop3A_435 : i32 to index
        %parallel_loop3A_437 = arith.index_cast %parallel_loop3A_430 : i32 to index
        %parallel_loop3A_438 = tpu.vector_load %arg7[%parallel_loop3A_436, %parallel_loop3A_437] {strides = array<i32>} : memref<8x1024xi32, #tpu.memory_space<vmem>>, vector<16xi32>,
        tpu.vector_store %arg7[%parallel_loop3A_436, %parallel_loop3A_437], %parallel_loop3A_385 {strides = array<i32>} : memref<8x1024xi32, #tpu.memory_space<vmem>>, vector<16xi32>,
        %parallel_loop3A_439 = arith.constant 1 : i32
        %parallel_loop3A_440 = arith.index_cast %parallel_loop3A_439 : i32 to index
        %parallel_loop3A_441 = arith.index_cast %parallel_loop3A_430 : i32 to index
        %parallel_loop3A_442 = tpu.vector_load %arg6[%parallel_loop3A_440, %parallel_loop3A_441] {strides = array<i32>} : memref<8x1024xf32, #tpu.memory_space<vmem>>, vector<16xf32>,
        tpu.vector_store %arg6[%parallel_loop3A_440, %parallel_loop3A_441], %parallel_loop3A_404 {strides = array<i32>} : memref<8x1024xf32, #tpu.memory_space<vmem>>, vector<16xf32>,
        %parallel_loop3A_443 = arith.constant 1 : i32
        %parallel_loop3A_444 = arith.index_cast %parallel_loop3A_443 : i32 to index
        %parallel_loop3A_445 = arith.index_cast %parallel_loop3A_430 : i32 to index
        %parallel_loop3A_446 = tpu.vector_load %arg7[%parallel_loop3A_444, %parallel_loop3A_445] {strides = array<i32>} : memref<8x1024xi32, #tpu.memory_space<vmem>>, vector<16xi32>,
        tpu.vector_store %arg7[%parallel_loop3A_444, %parallel_loop3A_445], %parallel_loop3A_405 {strides = array<i32>} : memref<8x1024xi32, #tpu.memory_space<vmem>>, vector<16xi32>,
        %parallel_loop3A_447 = arith.constant 2 : i32
        %parallel_loop3A_448 = arith.index_cast %parallel_loop3A_447 : i32 to index
        %parallel_loop3A_449 = arith.index_cast %parallel_loop3A_430 : i32 to index
        %parallel_loop3A_450 = tpu.vector_load %arg6[%parallel_loop3A_448, %parallel_loop3A_449] {strides = array<i32>} : memref<8x1024xf32, #tpu.memory_space<vmem>>, vector<16xf32>,
        tpu.vector_store %arg6[%parallel_loop3A_448, %parallel_loop3A_449], %parallel_loop3A_414 {strides = array<i32>} : memref<8x1024xf32, #tpu.memory_space<vmem>>, vector<16xf32>,
        %parallel_loop3A_451 = arith.constant 2 : i32
        %parallel_loop3A_452 = arith.index_cast %parallel_loop3A_451 : i32 to index
        %parallel_loop3A_453 = arith.index_cast %parallel_loop3A_430 : i32 to index
        %parallel_loop3A_454 = tpu.vector_load %arg7[%parallel_loop3A_452, %parallel_loop3A_453] {strides = array<i32>} : memref<8x1024xi32, #tpu.memory_space<vmem>>, vector<16xi32>,
        tpu.vector_store %arg7[%parallel_loop3A_452, %parallel_loop3A_453], %parallel_loop3A_415 {strides = array<i32>} : memref<8x1024xi32, #tpu.memory_space<vmem>>, vector<16xi32>,
        %parallel_loop3A_455 = arith.constant 3 : i32
        %parallel_loop3A_456 = arith.index_cast %parallel_loop3A_455 : i32 to index
        %parallel_loop3A_457 = arith.index_cast %parallel_loop3A_430 : i32 to index
        %parallel_loop3A_458 = tpu.vector_load %arg6[%parallel_loop3A_456, %parallel_loop3A_457] {strides = array<i32>} : memref<8x1024xf32, #tpu.memory_space<vmem>>, vector<16xf32>,
        tpu.vector_store %arg6[%parallel_loop3A_456, %parallel_loop3A_457], %parallel_loop3A_424 {strides = array<i32>} : memref<8x1024xf32, #tpu.memory_space<vmem>>, vector<16xf32>,
        %parallel_loop3A_459 = arith.constant 3 : i32
        %parallel_loop3A_460 = arith.index_cast %parallel_loop3A_459 : i32 to index
        %parallel_loop3A_461 = arith.index_cast %parallel_loop3A_430 : i32 to index
        %parallel_loop3A_462 = tpu.vector_load %arg7[%parallel_loop3A_460, %parallel_loop3A_461] {strides = array<i32>} : memref<8x1024xi32, #tpu.memory_space<vmem>>, vector<16xi32>,
        tpu.vector_store %arg7[%parallel_loop3A_460, %parallel_loop3A_461], %parallel_loop3A_425 {strides = array<i32>} : memref<8x1024xi32, #tpu.memory_space<vmem>>, vector<16xi32>,
        %parallel_loop3A_463 = arith.constant 4 : i32
        %parallel_loop3A_464 = arith.index_cast %parallel_loop3A_463 : i32 to index
        %parallel_loop3A_465 = arith.index_cast %parallel_loop3A_430 : i32 to index
        %parallel_loop3A_466 = tpu.vector_load %arg6[%parallel_loop3A_464, %parallel_loop3A_465] {strides = array<i32>} : memref<8x1024xf32, #tpu.memory_space<vmem>>, vector<16xf32>,
        tpu.vector_store %arg6[%parallel_loop3A_464, %parallel_loop3A_465], %parallel_loop3A_426 {strides = array<i32>} : memref<8x1024xf32, #tpu.memory_space<vmem>>, vector<16xf32>,
        %parallel_loop3A_467 = arith.constant 4 : i32
        %parallel_loop3A_468 = arith.index_cast %parallel_loop3A_467 : i32 to index
        %parallel_loop3A_469 = arith.index_cast %parallel_loop3A_430 : i32 to index
        %parallel_loop3A_470 = tpu.vector_load %arg7[%parallel_loop3A_468, %parallel_loop3A_469] {strides = array<i32>} : memref<8x1024xi32, #tpu.memory_space<vmem>>, vector<16xi32>,
        tpu.vector_store %arg7[%parallel_loop3A_468, %parallel_loop3A_469], %parallel_loop3A_427 {strides = array<i32>} : memref<8x1024xi32, #tpu.memory_space<vmem>>, vector<16xi32>,
        %parallel_loop3A_471 = arith.constant 5 : i32
        %parallel_loop3A_472 = arith.index_cast %parallel_loop3A_471 : i32 to index
        %parallel_loop3A_473 = arith.index_cast %parallel_loop3A_430 : i32 to index
        %parallel_loop3A_474 = tpu.vector_load %arg6[%parallel_loop3A_472, %parallel_loop3A_473] {strides = array<i32>} : memref<8x1024xf32, #tpu.memory_space<vmem>>, vector<16xf32>,
        tpu.vector_store %arg6[%parallel_loop3A_472, %parallel_loop3A_473], %parallel_loop3A_421 {strides = array<i32>} : memref<8x1024xf32, #tpu.memory_space<vmem>>, vector<16xf32>,
        %parallel_loop3A_475 = arith.constant 5 : i32
        %parallel_loop3A_476 = arith.index_cast %parallel_loop3A_475 : i32 to index
        %parallel_loop3A_477 = arith.index_cast %parallel_loop3A_430 : i32 to index
        %parallel_loop3A_478 = tpu.vector_load %arg7[%parallel_loop3A_476, %parallel_loop3A_477] {strides = array<i32>} : memref<8x1024xi32, #tpu.memory_space<vmem>>, vector<16xi32>,
        tpu.vector_store %arg7[%parallel_loop3A_476, %parallel_loop3A_477], %parallel_loop3A_422 {strides = array<i32>} : memref<8x1024xi32, #tpu.memory_space<vmem>>, vector<16xi32>,
        %parallel_loop3A_479 = arith.constant 6 : i32
        %parallel_loop3A_480 = arith.index_cast %parallel_loop3A_479 : i32 to index
        %parallel_loop3A_481 = arith.index_cast %parallel_loop3A_430 : i32 to index
        %parallel_loop3A_482 = tpu.vector_load %arg6[%parallel_loop3A_480, %parallel_loop3A_481] {strides = array<i32>} : memref<8x1024xf32, #tpu.memory_space<vmem>>, vector<16xf32>,
        tpu.vector_store %arg6[%parallel_loop3A_480, %parallel_loop3A_481], %parallel_loop3A_411 {strides = array<i32>} : memref<8x1024xf32, #tpu.memory_space<vmem>>, vector<16xf32>,
        %parallel_loop3A_483 = arith.constant 6 : i32
        %parallel_loop3A_484 = arith.index_cast %parallel_loop3A_483 : i32 to index
        %parallel_loop3A_485 = arith.index_cast %parallel_loop3A_430 : i32 to index
        %parallel_loop3A_486 = tpu.vector_load %arg7[%parallel_loop3A_484, %parallel_loop3A_485] {strides = array<i32>} : memref<8x1024xi32, #tpu.memory_space<vmem>>, vector<16xi32>,
        tpu.vector_store %arg7[%parallel_loop3A_484, %parallel_loop3A_485], %parallel_loop3A_412 {strides = array<i32>} : memref<8x1024xi32, #tpu.memory_space<vmem>>, vector<16xi32>,
        %parallel_loop3A_487 = arith.constant 7 : i32
        %parallel_loop3A_488 = arith.index_cast %parallel_loop3A_487 : i32 to index
        %parallel_loop3A_489 = arith.index_cast %parallel_loop3A_430 : i32 to index
        %parallel_loop3A_490 = tpu.vector_load %arg6[%parallel_loop3A_488, %parallel_loop3A_489] {strides = array<i32>} : memref<8x1024xf32, #tpu.memory_space<vmem>>, vector<16xf32>,
        tpu.vector_store %arg6[%parallel_loop3A_488, %parallel_loop3A_489], %parallel_loop3A_391 {strides = array<i32>} : memref<8x1024xf32, #tpu.memory_space<vmem>>, vector<16xf32>,
        %parallel_loop3A_491 = arith.constant 7 : i32
        %parallel_loop3A_492 = arith.index_cast %parallel_loop3A_491 : i32 to index
        %parallel_loop3A_493 = arith.index_cast %parallel_loop3A_430 : i32 to index
        %parallel_loop3A_494 = tpu.vector_load %arg7[%parallel_loop3A_492, %parallel_loop3A_493] {strides = array<i32>} : memref<8x1024xi32, #tpu.memory_space<vmem>>, vector<16xi32>,
        tpu.vector_store %arg7[%parallel_loop3A_492, %parallel_loop3A_493], %parallel_loop3A_392 {strides = array<i32>} : memref<8x1024xi32, #tpu.memory_space<vmem>>, vector<16xi32>,
      } {sc.loop_unroll_factor = 2 : i64, sc.parallel_access}
    }
    %scan3A_22 = arith.constant 8 : i32
    "tpu.region"() ({
      %run_scoped3A = tpu.sem_alloc : memref<!tpu.dma_semaphore, #tpu.memory_space<semaphore_mem>>
      %dma_start3A_23 = arith.constant 0 : i32
      %dma_start3A_24 = tpu.memref_slice %arg3[%dma_start3A_23, %mul3A_2] : memref<8x32768xf32, #tpu.memory_space<hbm>> -> memref<8x1024xf32, #tpu.memory_space<hbm>>
      %dma_start3A_25 = arith.constant 0 : i32
      %dma_start3A_26 = tpu.memref_slice %arg3[%dma_start3A_25, %mul3A_2] : memref<8x32768xf32, #tpu.memory_space<hbm>> -> memref<8x1024xf32, #tpu.memory_space<hbm>>
      tpu.enqueue_dma source(%arg6 : memref<8x1024xf32, #tpu.memory_space<vmem>>) target(%dma_start3A_26 : memref<8x1024xf32, #tpu.memory_space<hbm>>) target_semaphore(%run_scoped3A : memref<!tpu.dma_semaphore, #tpu.memory_space<semaphore_mem>>)
      %dma_wait3A = arith.constant 0 : i32
      %dma_wait3A_27 = tpu.memref_slice %arg3[%dma_wait3A, %mul3A_2] : memref<8x32768xf32, #tpu.memory_space<hbm>> -> memref<8x1024xf32, #tpu.memory_space<hbm>>
      %dma_wait3A_28 = arith.constant 0 : i32
      %dma_wait3A_29 = tpu.memref_slice %arg3[%dma_wait3A_28, %mul3A_2] : memref<8x32768xf32, #tpu.memory_space<hbm>> -> memref<8x1024xf32, #tpu.memory_space<hbm>>
      tpu.wait_dma2 semaphore(%run_scoped3A : memref<!tpu.dma_semaphore, #tpu.memory_space<semaphore_mem>>) src(%arg6 : memref<8x1024xf32, #tpu.memory_space<vmem>>) dst(%dma_wait3A_29 : memref<8x1024xf32, #tpu.memory_space<hbm>>)
      tpu.yield
    }) : () -> ()
    "tpu.region"() ({
      %run_scoped3A = tpu.sem_alloc : memref<!tpu.dma_semaphore, #tpu.memory_space<semaphore_mem>>
      %dma_start3A_23 = arith.constant 0 : i32
      %dma_start3A_24 = tpu.memref_slice %arg4[%dma_start3A_23, %mul3A_2] : memref<8x32768xi32, #tpu.memory_space<hbm>> -> memref<8x1024xi32, #tpu.memory_space<hbm>>
      %dma_start3A_25 = arith.constant 0 : i32
      %dma_start3A_26 = tpu.memref_slice %arg4[%dma_start3A_25, %mul3A_2] : memref<8x32768xi32, #tpu.memory_space<hbm>> -> memref<8x1024xi32, #tpu.memory_space<hbm>>
      tpu.enqueue_dma source(%arg7 : memref<8x1024xi32, #tpu.memory_space<vmem>>) target(%dma_start3A_26 : memref<8x1024xi32, #tpu.memory_space<hbm>>) target_semaphore(%run_scoped3A : memref<!tpu.dma_semaphore, #tpu.memory_space<semaphore_mem>>)
      %dma_wait3A = arith.constant 0 : i32
      %dma_wait3A_27 = tpu.memref_slice %arg4[%dma_wait3A, %mul3A_2] : memref<8x32768xi32, #tpu.memory_space<hbm>> -> memref<8x1024xi32, #tpu.memory_space<hbm>>
      %dma_wait3A_28 = arith.constant 0 : i32
      %dma_wait3A_29 = tpu.memref_slice %arg4[%dma_wait3A_28, %mul3A_2] : memref<8x32768xi32, #tpu.memory_space<hbm>> -> memref<8x1024xi32, #tpu.memory_space<hbm>>
      tpu.wait_dma2 semaphore(%run_scoped3A : memref<!tpu.dma_semaphore, #tpu.memory_space<semaphore_mem>>) src(%arg7 : memref<8x1024xi32, #tpu.memory_space<vmem>>) dst(%dma_wait3A_29 : memref<8x1024xi32, #tpu.memory_space<hbm>>)
      tpu.yield
    }) : () -> ()
    return
  }
}

</mosaic_0001>

<sc_bundles>
// kernel: kernel.3.cloned.1.call-start
scs
__scs_entry_jumppad:
0x0: {  	(pc) =	sbr.rel $0x88, $3  }
0x1: {  	(tag) =	ssettag $0x0;
	lr =	simm.s32 $0x1  }
0x2: {  	[smem:$0x3FA0] =	sst lr;
	_ =	strace $0xD0000000  }
0x3: {  	_ = 	snop  }
0x4: {  	_ = 	snop  }
0x5: {  	_ = 	snop  }
0x6: {  	_ = 	snop  }
0x7: {  	_ = 	snop  }
__scs_overlays_trampoline_lowered:
0x8: {  	[smem:$0x3FAF] =	sst s0  }
0x9: {  	[smem:$0x3FB0] =	sst s1  }
0xa: {  	[smem:$0x3FB1] =	sst s2  }
0xb: {  	[smem:$0x3FB2] =	sst s3  }
0xc: {  	[smem:$0x3FB3] =	sst s4  }
0xd: {  	[smem:$0x3FB4] =	sst s5  }
0xe: {  	[smem:$0x3FB5] =	sst s6  }
0xf: {  	[smem:$0x3FB6] =	sst s7  }
0x10: {  	[smem:$0x3FB7] =	sst s8  }
0x11: {  	[smem:$0x3FB8] =	sst s9;
	s0 =	simm.s32 @!p0 $0x0  }
0x12: {  	s1 =	sld [smem:$0x3F9E];
	s0 =	simm.s32 @p0 $0x1  }
0x13: {  	[smem:$0x3FB9] =	sst s0;
	s0 =	simm.s32 @!p1 $0x0  }
0x14: {  	s2 =	sld [smem:$0x3F9D];
	s0 =	simm.s32 @p1 $0x1  }
0x15: {  	[smem:$0x3FBA] =	sst s0;
	s0 =	simm.s32 @!p2 $0x0  }
0x16: {  	s3 =	sld [smem:$0x3FDB];
	s0 =	simm.s32 @p2 $0x1  }
0x17: {  	s4 =	simm.s32 $0x1BF5;
	[smem:$0x3FBC] =	sst s0  }
0x18: {  	s0 =	sld [smem:$0x3F9F];
	_ =	swait.ge [sflag:s4], $0x0  }
0x19: {  	s7 =	sld [smem:$0x3FA0]  }
0x1a: {  	s8 =	sadd.s32 $0xFFFFE003, lr  }
0x1b: {  	s9 =	sadd.s32 $0xFFFFFEF7, lr;
	s5 =	simm.s32 $0xFFFFFFFF;
	p2 =	slt.u32 s8, $0xFFFFF086  }
0x1c: {  	p1 =	slt.u32 s9, $0xF7A;
	s5 =	simm.s32 @!p2 $0x0  }
0x1d: {  	s5 =	simm.s32 @p1 $0x1;
	p0 =	seq.s32 s7, s2  }
0x1e: {  	s7 =	smul.u32 @!p0 $0xF7A, s2;
	p2 =	seq.s32 @!p0 s5, $0x0  }
0x1f: {  	s9 =	smul.u32 $0xF7A, s1;
	s8 =	simm.s32 @!p0 $0x1BF5;
	p2 =	por !p2, p0  }
0x20: {  	[sflag:s8] =	ssyncset.s32 @!p0 $0xFFFFF086;
	s6 =	sadd.s32 @!p0 s3, s7;
	s7 =	simm.s32 @!p0 $0x108  }
0x21: {  	s3 =	sadd.s32 s3, s9;
	s6 =	sadd.s32 @!p0 $0x88, s6;
	s7 =	simm.s32 @p2 $0x1082  }
0x22: {  	[simem:s7], [sflag:s8] =	dma.local @!p0 [hbm:s6], $0xF7A  }
0x23: {  	s9 =	sor.u32 $0xD0000000, s2;
	s6 =	simm.s32 $0x108;
	_ =	swait.ge @!p0 [sflag:s8], $0x0  }
0x24: {  	s3 =	sadd.s32 $0x88, s3;
	s6 =	simm.s32 @!p1 $0x1082;
	[sflag:s4] =	ssyncset.s32 $0xFFFFF086  }
0x25: {  	[simem:s6], [sflag:s4] =	dma.local [hbm:s3], $0xF7A  }
0x26: {  	[smem:$0x3FA0] =	sst s1;
	(tag) =	ssettag s2;
	_ =	strace s9  }
0x27: {  	s1 =	sld [smem:$0x3FB0]  }
0x28: {  	s2 =	sld [smem:$0x3FB1]  }
0x29: {  	s4 =	sld [smem:$0x3FB3]  }
0x2a: {  	p0 =	seq.s32 s5, $0x0;
	s5 =	sld [smem:$0x3FB4]  }
0x2b: {  	s6 =	sld [smem:$0x3FB5]  }
0x2c: {  	s7 =	sld [smem:$0x3FB6]  }
0x2d: {  	s3 =	simm.s32 $0x108;
	s8 =	sld [smem:$0x3FB7]  }
0x2e: {  	s3 =	simm.s32 @!p0 $0x1082;
	s9 =	sld [smem:$0x3FB8]  }
0x2f: {  	lr =	sadd.s32 s0, s3;
	s0 =	sld [smem:$0x3FAF]  }
0x30: {  	s3 =	sld [smem:$0x3FB2]  }
0x31: {  	[smem:$0x3FBB] =	sst s10  }
0x32: {  	s10 =	sld [smem:$0x3FB9];
	_ =	sdelay $0x3  }
0x33: {  	p0 =	seq.s32 s10, $0x1;
	s10 =	sld [smem:$0x3FBB];
	_ =	sdelay $0x3  }
0x34: {  	[smem:$0x3FBB] =	sst s10  }
0x35: {  	s10 =	sld [smem:$0x3FBA];
	_ =	sdelay $0x3  }
0x36: {  	p1 =	seq.s32 s10, $0x1;
	s10 =	sld [smem:$0x3FBB];
	_ =	sdelay $0x3  }
0x37: {  	[smem:$0x3FBB] =	sst s10  }
0x38: {  	s10 =	sld [smem:$0x3FBC]  }
0x39: {  	_ = 	snop;
	(pc) =	sbr.ind lr, $3  }
0x3a: {  	_ = 	snop  }
0x3b: {  	_ = 	snop  }
0x3c: {  	p2 =	seq.s32 s10, $0x1;
	s10 =	sld [smem:$0x3FBB]  }
0x3d: {  	_ =	shalt  }
0x3e: {  	_ =	shalt  }
0x3f: {  	_ =	shalt  }
0x40: {  	_ =	shalt  }
0x41: {  	_ =	shalt  }
0x42: {  	_ =	shalt  }
0x43: {  	_ =	shalt  }
0x44: {  	_ =	shalt  }
0x45: {  	_ =	shalt  }
0x46: {  	_ =	shalt  }
0x47: {  	_ =	shalt  }
0x48: {  	_ =	shalt  }
0x49: {  	_ =	shalt  }
0x4a: {  	_ =	shalt  }
0x4b: {  	_ =	shalt  }
0x4c: {  	_ =	shalt  }
0x4d: {  	_ =	shalt  }
0x4e: {  	_ =	shalt  }
0x4f: {  	_ =	shalt  }
0x50: {  	_ =	shalt  }
0x51: {  	_ =	shalt  }
0x52: {  	_ =	shalt  }
0x53: {  	_ =	shalt  }
0x54: {  	_ =	shalt  }
0x55: {  	_ =	shalt  }
0x56: {  	_ =	shalt  }
0x57: {  	_ =	shalt  }
0x58: {  	_ =	shalt  }
0x59: {  	_ =	shalt  }
0x5a: {  	_ =	shalt  }
0x5b: {  	_ =	shalt  }
0x5c: {  	_ =	shalt  }
0x5d: {  	_ =	shalt  }
0x5e: {  	_ =	shalt  }
0x5f: {  	_ =	shalt  }
0x60: {  	_ =	shalt  }
0x61: {  	_ =	shalt  }
0x62: {  	_ =	shalt  }
0x63: {  	_ =	shalt  }
0x64: {  	_ =	shalt  }
0x65: {  	_ =	shalt  }
0x66: {  	_ =	shalt  }
0x67: {  	_ =	shalt  }
0x68: {  	_ =	shalt  }
0x69: {  	_ =	shalt  }
0x6a: {  	_ =	shalt  }
0x6b: {  	_ =	shalt  }
0x6c: {  	_ =	shalt  }
0x6d: {  	_ =	shalt  }
0x6e: {  	_ =	shalt  }
0x6f: {  	_ =	shalt  }
0x70: {  	_ =	shalt  }
0x71: {  	_ =	shalt  }
0x72: {  	_ =	shalt  }
0x73: {  	_ =	shalt  }
0x74: {  	_ =	shalt  }
0x75: {  	_ =	shalt  }
0x76: {  	_ =	shalt  }
0x77: {  	_ =	shalt  }
0x78: {  	_ =	shalt  }
0x79: {  	_ =	shalt  }
0x7a: {  	_ =	shalt  }
0x7b: {  	_ =	shalt  }
0x7c: {  	_ =	shalt  }
0x7d: {  	_ =	shalt  }
0x7e: {  	_ =	shalt  }
0x7f: {  	_ =	shalt  }
0x80: {  	_ =	shalt  }
0x81: {  	_ =	shalt  }
0x82: {  	_ =	shalt  }
0x83: {  	_ =	shalt  }
0x84: {  	_ =	shalt  }
0x85: {  	_ =	shalt  }
0x86: {  	_ =	shalt  }
0x87: {  	_ =	shalt  }
.Lfunc_end0:
.L_simem_size_0:
called_computation_lowered:
.L_overlay_start_0:
0x88: {  	s2 =	sld [smem:$0x3FD9]  }
0x89: {  	s3 =	sld [smem:$0x3FFE];
	_ =	sdelay $0x1  }
0x8a: {  	s1 =	srdreg.scid  }
0x8b: {  	s0 =	sand.u32 $0x1, s1  }
0x8c: {  	s15 =	sshll.u32 s0, $0xA;
	s2 =	sadd.s32 s3, s2  }
0x8d: {  	s2 =	sadd.s32 s2, s15  }
0x8e: {  	[smem:$0x3FC7] =	sst s2  }
0x8f: {  	_ = 	snop  }
0x90: {  	s2 =	sld [smem:$0x3FD0];
	_ =	sdelay $0x2  }
0x91: {  	s4 =	simm.s32 $0xA;
	s5 =	simm.s32 $0x10;
	s16 =	sld [smem:$0x3FC9]  }
0x92: {  	[smem:s5], [sflag:s4] =	dma.local [hbm:s2], $0x1  }
0x93: {  	_ =	swait.eq [sflag:s4], $0x1  }
0x94: {  	[sflag:s4] =	ssyncset.done $0x0  }
0x95: {  	s17 =	sld [smem:$0x10];
	[sflag:s4] =	ssyncadd.s32 $0xFFFFFFFF  }
0x96: {  	s18 =	sld [smem:$0x11];
	(tm) =	ssettm $0x1  }
0x97: {  	s19 =	sld [smem:$0x3FFB];
	_ =	sdelay $0x3  }
0x98: {  	_ =	strace s19  }
0x99: {  	s5 =	sld [smem:$0x3FFC];
	_ =	sdelay $0x3  }
0x9a: {  	_ =	strace s5  }
0x9b: {  	s5 =	sld [smem:$0x3FFD];
	_ =	sdelay $0x3  }
0x9c: {  	_ =	strace s5  }
0x9d: {  	_ =	strace $0x8FFFFFFF  }
0x9e: {  	s20 =	sld [smem:$0x3FDB];
	_ =	sdelay $0x1  }
0x9f: {  	s6 =	simm.s32 $_scs_section_size  }
0xa0: {  	s7 =	simm.s32 $_size__tile_overlayer_lowered;
	s8 =	simm.s32 $_tile_overlayer_lowered  }
0xa1: {  	s23 =	simm.s32 $0x1BFF;
	s22 =	sshll.u32 s8, $0x1;
	s5 =	sadd.s32 s6, s20  }
0xa2: {  	s9 =	simm.s32 $0x0;
	s21 =	sshll.u32 s7, $0x1;
	s7 =	sadd.s32 s22, s5  }
0xa3: {  	[timem:s9], [sflag:s23] =	dma.local [hbm:s7], s21  }
0xa4: {  	_ =	swait.ge [sflag:s23], s21  }
0xa5: {  	s6 =	ssub.s32 $0x0, s21;
	[sflag:s23] =	ssyncset.done $0x0  }
0xa6: {  	[sflag:s23] =	ssyncadd.s32 s6;
	_ =	sdelay $0x1  }
0xa7: {  	s24 =	simm.s32 $0x1B8B  }
0xa8: {  	_ =	swait.ge [sflag:s24], $0x1  }
0xa9: {  	[sflag:s24] =	ssyncset.done $0x0  }
0xaa: {  	s25 =	simm.s32 $0x1B8E;
	[sflag:s24] =	ssyncadd.s32 $0xFFFFFFFF  }
0xab: {  	s26 =	simm.s32 $execute0_lowered;
	[smem:$0x3FD2] =	sst s25  }
0xac: {  	s6 =	sshll.u32 s26, $0x1;
	_ =	strace $0x80000046;
	[dreg:$0x1] =	wrdreg $0xFFFFFFFF  }
0xad: {  	s28 =	simm.s32 $_size_execute0_lowered;
	s5 =	sadd.s32 s5, s6;
	[dreg:$0x0] =	wrdreg $0x0  }
0xae: {  	s6 =	sshll.u32 s28, $0x1;
	[dreg:$0x2] =	wrdreg s5  }
0xaf: {  	[dreg:$0x3] =	wrdreg s6  }
0xb0: {  	[dreg:$0x4] =	wrdreg $0xC0  }
0xb1: {  	_ =	task [dreg:s9], $0x5FFFF  }
0xb2: {  	[dreg:$0x1] =	wrdreg $0xFFFFFFFF  }
0xb3: {  	[dreg:$0x0] =	wrdreg $0x60  }
0xb4: {  	[dreg:$0x2] =	wrdreg s16  }
0xb5: {  	[dreg:$0x3] =	wrdreg s17  }
0xb6: {  	[dreg:$0x4] =	wrdreg s18  }
0xb7: {  	[dreg:$0x5] =	wrdreg $0x9  }
0xb8: {  	_ =	task.clear_ibuf [dreg:s9], $0x6FFFF;
	_ =	strace $0x90000046  }
0xb9: {  	s29 =	simm.s32 $0x9;
	_ =	strace $0x80000048  }
0xba: {  	_ =	swait.ge [sflag:s29], $0x1  }
0xbb: {  	[sflag:s29] =	ssyncadd.s32 $0xFFFFFFFF  }
0xbc: {  	_ =	strace $0x90000048  }
0xbd: {  	_ =	sfence  }
0xbe: {  	s30 =	sld [smem:$0x0];
	_ =	sdelay $0x2  }
0xbf: {  	s31 =	sshll.u32 s1, $0xD;
	s1 =	sshrl.u32 s1, $0x2  }
0xc0: {  	s3 =	sand.u32 $0x4000, s31;
	s1 =	sadd.s32 s1, s30  }
0xc1: {  	s0 =	sor.u32 s3, s0;
	s1 =	sshll.u32 s1, $0x11  }
0xc2: {  	s0 =	sor.u32 s1, s0  }
0xc3: {  	s0 =	sadd.s32 $0x8F2B, s0  }
0xc4: {  	[sflag:s0] =	ssyncadd.remote.s32 $0x1  }
0xc5: {  	_ =	sfence.sel $0xFFFF  }
0xc6: {  	[dreg:$0x0] =	wrdreg $0xFFFFFFFF;
	(pc) =	sbr.abs _section_cstart, $3  }
0xc7: {  	[dreg:$0x1] =	wrdreg $0xFFFFFFFF  }
0xc8: {  	_ =	task.clear_ibuf [dreg:s9], $0x2FFFF;
	_ =	strace $0x9FFFFFFF  }
0xc9: {  	(tm) =	ssettm $0x7FFFFFFF  }
tec
execute0_lowered:
.L_overlay_start_1:
0x0: {  	(tag) =	ssettag $0x1  }
0x1: {  	s3 =	rddreg [dreg:$0x0]  }
0x2: {  	s4 =	rddreg [dreg:$0x1]  }
0x3: {  	s5 =	rddreg [dreg:$0x2]  }
0x4: {  	s0 =	rddreg [dreg:$0x3];
	s6 =	srdreg.scid  }
0x5: {  	s2 =	simm.s32 $0x0;
	s1 =	stileid.u32;
	s10 =	simm.s32 $0x3  }
0x6: {  	s11 =	simm.s32 $0x6000;
	s12 =	simm.s32 $0x0;
	s6 =	sand.u32 $0x1, s6  }
0x7: {  	s8 =	sshll.u32 s1, $0xB;
	[smem:$0x7FF] =	sst s2;
	s7 =	ssub.s32 $0x2, s6  }
0x8: {  	s6 =	sshll.u32 s6, $0xA;
	_ =	strace $0x80000047;
	s9 =	sshrl.u32 s7, $0x1  }
0x9: {  	s6 =	sor.u32 s6, s8;
	s8 =	simm.s32 $0x40000;
	s7 =	ssub.s32 s7, s9  }
0xa: {  	s3 =	sadd.s32 s3, s6;
	s4 =	sadd.s32 s4, s6;
	s5 =	sadd.s32 s5, s6  }
0xb: {  	v0 =	vlaneseq.u32;
	s9 =	simm.s32 $0x4000;
	s6 =	smax.u32 s7, $0x1;
	s7 =	simm.s32 $0x400  }
.LBB2_1:
0xc: {  	[tilespmem:s2], [sflag:$0x1] =	stream.strided.gather [hbm4b:s3+s7], $0x2000, s8, s7, $0x38;
	[tilespmem:$0x8000] =	vst v63  }
0xd: {  	p0 =	por $0x0, $0x0;
	s13 =	simm.s32 $0x0  }
.LBB2_3:
0xe: {  	s17 =	smov.u32 s13;
	s14 =	simm.s32 $0x1;
	s13 =	sadd.s32 $0x1, s13  }
0xf: {  	p1 =	seq.s32 s17, $0x7;
	s14 =	simm.s32 @!p0 $0x0;
	s15 =	sand.u32 $0x1, s17  }
0x10: {  	s17 =	sshll.u32 s17, $0x7;
	s16 =	sand.u32 @!p1 $0x1, s13;
	s19 =	sshll.u32 @!p1 s13, $0x7  }
0x11: {  	s20 =	simm.s32 @!p1 $0x400;
	s21 =	simm.s32 @!p1 $0x40000;
	s25 =	sshll.u32 s14, $0xD  }
0x12: {  	s26 =	sadd.s32 $0x1, s15;
	s15 =	sshll.u32 s15, $0xD;
	s18 =	sshll.u32 @!p1 s16, $0xD  }
0x13: {  	s16 =	sadd.s32 @!p1 $0x1, s16;
	s19 =	sadd.s32 @!p1 s19, s3;
	s14 =	sor.u32 $0x790, s25  }
0x14: {  	s28 =	sor.u32 $0x80, s15;
	s29 =	sor.u32 $0x100, s15;
	s30 =	sor.u32 $0x180, s15  }
0x15: {  	[tilespmem:s18], [sflag:s16] =	stream.strided.gather @!p1 [hbm4b:s19+s20], $0x2000, s21, s20, $0x38;
	[tilespmem:$0x8000] =	vst v63  }
0x16: {  	s22 =	sor.u32 $0x200, s15;
	v1 =	vmov s15;
	s31 =	sor.u32 $0x280, s15;
	v2 =	vmov s28;
	_ =	swait.ge [sflag:s26], $0x2000  }
0x17: {  	s23 =	sor.u32 $0x300, s15;
	s24 =	sor.u32 $0x380, s15;
	v3 =	vmov s29;
	v4 =	vmov s30;
	v5 =	vmov s22;
	[sflag:s26] =	ssyncset.done $0x0  }
0x18: {  	s16 =	sor.u32 $0x780, s25;
	s18 =	simm.s32 $0x0;
	v6 =	vmov s31;
	v7 =	vmov s23;
	v8 =	vmov s24;
	[sflag:s26] =	ssyncadd.s32 $0xFFFFE000  }
.LBB2_4:
0x19: {  	_ = 	snop  }
0x1a: {  	v18 =	vld [tilespmem:s16+$0xFFFFFC80]  }
0x1b: {  	v19 =	vld [tilespmem:s16+$0xFFFFFD00]  }
0x1c: {  	s19 =	sshll.u32 s18, $0x4;
	v20 =	vld [tilespmem:s16+$0xFFFFFD80]  }
0x1d: {  	v9 =	vld.idx.msk [tilespmem:v1+s19+$0x0 ss:$0x1], $0xffff  }
0x1e: {  	v10 =	vld.idx.msk [tilespmem:v2+s19+$0x0 ss:$0x1], $0xffff  }
0x1f: {  	v11 =	vld.idx.msk [tilespmem:v3+s19+$0x0 ss:$0x1], $0xffff  }
0x20: {  	v12 =	vld.idx.msk [tilespmem:v4+s19+$0x0 ss:$0x1], $0xffff  }
0x21: {  	v13 =	vld.idx.msk [tilespmem:v5+s19+$0x0 ss:$0x1], $0xffff  }
0x22: {  	v14 =	vld.idx.msk [tilespmem:v6+s19+$0x0 ss:$0x1], $0xffff  }
0x23: {  	v15 =	vld.idx.msk [tilespmem:v7+s19+$0x0 ss:$0x1], $0xffff  }
0x24: {  	v16 =	vld.idx.msk [tilespmem:v8+s19+$0x0 ss:$0x1], $0xffff;
	_ =	sdelay $0x1  }
0x25: {  	v18 =	vand.u32 $0xFFFFFFC0, v18;
	v19 =	vand.u32 $0xFFFFFFC0, v19  }
0x26: {  	v20 =	vand.u32 $0xFFFFFFC0, v20;
	v9 =	vor.u32 $0x3F, v9;
	v10 =	vand.u32 $0xFFFFFFC0, v10  }
0x27: {  	v11 =	vand.u32 $0xFFFFFFC0, v11;
	v12 =	vand.u32 $0xFFFFFFC0, v12;
	v13 =	vand.u32 $0xFFFFFFC0, v13  }
0x28: {  	s20 =	simm.s32 $0x37;
	s28 =	simm.s32 $0x36;
	v14 =	vand.u32 $0xFFFFFFC0, v14;
	v15 =	vand.u32 $0xFFFFFFC0, v15;
	v16 =	vand.u32 $0xFFFFFFC0, v16  }
0x29: {  	v18 =	vor.u32 s20, v18;
	v19 =	vor.u32 s28, v19;
	v10 =	vor.u32 $0x3E, v10  }
0x2a: {  	v11 =	vor.u32 $0x3D, v11;
	v12 =	vor.u32 $0x3C, v12;
	v13 =	vor.u32 $0x3B, v13  }
0x2b: {  	v14 =	vor.u32 $0x3A, v14;
	v15 =	vor.u32 $0x39, v15;
	v16 =	vor.u32 $0x38, v16  }
0x2c: {  	v17 =	vmax.f32 v9, v10;
	v9 =	vmin.f32 v9, v10;
	v10 =	vmax.f32 v11, v12  }
0x2d: {  	v11 =	vmin.f32 v11, v12;
	v12 =	vmax.f32 v13, v14;
	v13 =	vmin.f32 v13, v14  }
0x2e: {  	v14 =	vmax.f32 v15, v16;
	v15 =	vmin.f32 v15, v16;
	v16 =	vmax.f32 v17, v10  }
0x2f: {  	v10 =	vmin.f32 v17, v10;
	v17 =	vmax.f32 v9, v11;
	v9 =	vmin.f32 v9, v11  }
0x30: {  	v11 =	vmax.f32 v12, v14;
	v12 =	vmin.f32 v12, v14;
	v14 =	vmax.f32 v13, v15  }
0x31: {  	v22 =	vld [tilespmem:s16+$0xFFFFFE00];
	v13 =	vmin.f32 v13, v15;
	v15 =	vmax.f32 v17, v10;
	v17 =	vmin.f32 v17, v10  }
0x32: {  	v23 =	vld [tilespmem:s16+$0xFFFFFE80];
	v21 =	vmax.f32 v14, v12;
	v12 =	vmin.f32 v14, v12;
	v10 =	vmax.f32 v16, v11  }
0x33: {  	v24 =	vld [tilespmem:s16+$0xFFFFFF00];
	v11 =	vmin.f32 v16, v11;
	v14 =	vmax.f32 v9, v13;
	v9 =	vmin.f32 v9, v13  }
0x34: {  	v26 =	vld [tilespmem:s16+$0x0];
	v16 =	vmax.f32 v15, v21;
	v21 =	vmin.f32 v15, v21;
	v25 =	vmax.f32 v17, v12  }
0x35: {  	v12 =	vmin.f32 v17, v12;
	v13 =	vmax.f32 v16, v11;
	v11 =	vmin.f32 v16, v11  }
0x36: {  	v17 =	vld [tilespmem:s16+$0xFFFFFF80];
	v16 =	vmax.f32 v14, v12;
	v14 =	vmin.f32 v14, v12;
	v15 =	vmax.f32 v25, v11  }
0x37: {  	v12 =	vmin.f32 v25, v11;
	v25 =	vmax.f32 v16, v21;
	v16 =	vmin.f32 v16, v21  }
0x38: {  	v21 =	vand.u32 $0xFFFFFFC0, v22;
	v22 =	vand.u32 $0xFFFFFFC0, v23;
	v23 =	vand.u32 $0xFFFFFFC0, v24  }
0x39: {  	s21 =	simm.s32 $0x35;
	s22 =	simm.s32 $0x34;
	s29 =	simm.s32 $0x33;
	v11 =	vmax.f32 v25, v12;
	v12 =	vmin.f32 v25, v12;
	v25 =	vand.u32 $0xFFFFFFC0, v26  }
0x3a: {  	s30 =	simm.s32 $0x32;
	s23 =	simm.s32 $0x30;
	v26 =	vor.u32 s21, v20;
	v27 =	vor.u32 s22, v21;
	v20 =	vor.u32 s29, v22  }
0x3b: {  	s31 =	simm.s32 $0x31;
	v24 =	vor.u32 s30, v23;
	v25 =	vor.u32 s23, v25;
	v17 =	vand.u32 $0xFFFFFFC0, v17  }
0x3c: {  	v22 =	vmax.f32 v26, v27;
	v23 =	vmin.f32 v26, v27;
	v21 =	vor.u32 s31, v17  }
0x3d: {  	s20 =	simm.s32 $0x28;
	s21 =	smov.u32 s16;
	v17 =	vmax.f32 v18, v19;
	v18 =	vmin.f32 v18, v19;
	v19 =	vmax.f32 v20, v24  }
.LBB2_5:
0x3e: {  	p1 =	sne.s32 s20, $0x0;
	v20 =	vmin.f32 v20, v24;
	v24 =	vmax.f32 v21, v25;
	v21 =	vmin.f32 v21, v25  }
0x3f: {  	v25 =	vmax.f32 v17, v22;
	v26 =	vmin.f32 v18, v23;
	v27 =	vmax.f32 v19, v24  }
0x40: {  	v17 =	vmin.f32 v17, v22;
	v18 =	vmax.f32 v18, v23;
	v22 =	vmin.f32 v20, v21  }
0x41: {  	v19 =	vmin.f32 v19, v24;
	v20 =	vmax.f32 v20, v21;
	v21 =	vmax.f32 v25, v27  }
0x42: {  	v23 =	vmin.f32 v25, v27;
	v24 =	vmax.f32 v26, v22;
	v22 =	vmin.f32 v26, v22  }
0x43: {  	v25 =	vmax.f32 v18, v17;
	v17 =	vmin.f32 v18, v17;
	v18 =	vmax.f32 v20, v19  }
0x44: {  	v19 =	vmin.f32 v20, v19;
	v20 =	vmax.f32 v25, v18;
	v18 =	vmin.f32 v25, v18  }
0x45: {  	v25 =	vmax.f32 v17, v19;
	v17 =	vmin.f32 v17, v19;
	v19 =	vmax.f32 v20, v23  }
0x46: {  	v20 =	vmin.f32 v20, v23;
	v23 =	vmax.f32 v24, v17;
	v17 =	vmin.f32 v24, v17  }
0x47: {  	v24 =	vmax.f32 v25, v20;
	v20 =	vmin.f32 v25, v20;
	v25 =	vmax.f32 v23, v18  }
0x48: {  	v18 =	vmin.f32 v23, v18;
	v23 =	vmax.f32 v25, v20;
	v20 =	vmin.f32 v25, v20  }
0x49: {  	s21 =	sadd.s32 $0x400, s21;
	v10 =	vmax.f32 v10, v22;
	v9 =	vmax.f32 v9, v21;
	v13 =	vmax.f32 v13, v17  }
0x4a: {  	v14 =	vmax.f32 v14, v19;
	v15 =	vmax.f32 v15, v18;
	v16 =	vmax.f32 v16, v24;
	v17 =	vld [tilespmem:s21+$0xFFFFFC80]  }
0x4b: {  	v11 =	vmax.f32 v11, v20;
	v12 =	vmax.f32 v12, v23;
	v19 =	vmin.f32 v13, v16;
	v18 =	vld [tilespmem:s21+$0xFFFFFD00]  }
0x4c: {  	v22 =	vmin.f32 v15, v14;
	v21 =	vmin.f32 v10, v12;
	v23 =	vmin.f32 v11, v9;
	v20 =	vld [tilespmem:s21+$0xFFFFFD80]  }
0x4d: {  	v10 =	vmax.f32 v10, v12;
	v25 =	vmin.f32 v21, v22;
	v26 =	vmin.f32 v19, v23;
	v24 =	vld [tilespmem:s21+$0xFFFFFE00]  }
0x4e: {  	v12 =	vmax.f32 v13, v16;
	v11 =	vmax.f32 v11, v9;
	v9 =	vmin.f32 v25, v26;
	v27 =	vld [tilespmem:s21+$0xFFFFFE80]  }
0x4f: {  	v13 =	vmax.f32 v15, v14;
	v14 =	vmax.f32 v12, v11;
	v11 =	vmin.f32 v12, v11;
	v28 =	vld [tilespmem:s21+$0xFFFFFF00]  }
0x50: {  	v12 =	vmax.f32 v10, v13;
	v16 =	vmin.f32 v10, v13;
	v21 =	vmax.f32 v21, v22;
	v29 =	vld [tilespmem:s21+$0xFFFFFF80]  }
0x51: {  	v19 =	vmax.f32 v19, v23;
	v10 =	vmax.f32 v12, v14;
	v13 =	vmin.f32 v12, v14;
	v22 =	vld [tilespmem:s21+$0x0]  }
0x52: {  	v15 =	vmax.f32 v16, v11;
	v11 =	vmin.f32 v16, v11;
	v12 =	vmax.f32 v21, v19  }
0x53: {  	v16 =	vmin.f32 v21, v19;
	v14 =	vmax.f32 v25, v26  }
0x54: {  	v17 =	vand.u32 $0xFFFFFFC0, v17;
	v18 =	vand.u32 $0xFFFFFFC0, v18;
	v19 =	vand.u32 $0xFFFFFFC0, v20  }
0x55: {  	s22 =	sadd.s32 $0x7, s20;
	s23 =	sadd.s32 $0x5, s20;
	v20 =	vand.u32 $0xFFFFFFC0, v24;
	v21 =	vand.u32 $0xFFFFFFC0, v27;
	v23 =	vand.u32 $0xFFFFFFC0, v28  }
.Ltmp0:
0x56: {  	s24 =	sadd.s32 $0x4, s20;
	v26 =	vor.u32 s22, v17;
	s22 =	sadd.s32 $0x6, s20;
	v17 =	vand.u32 $0xFFFFFFC0, v29;
	v22 =	vand.u32 $0xFFFFFFC0, v22;
	(pc) =	sbr.rel @p1 .LBB2_5-.Ltmp0, $4  }
0x57: {  	v18 =	vor.u32 s22, v18;
	s22 =	sadd.s32 $0x3, s20;
	v19 =	vor.u32 s23, v19;
	s23 =	sadd.s32 $0x2, s20;
	v27 =	vor.u32 s24, v20;
	s24 =	sadd.s32 $0x1, s20  }
0x58: {  	v20 =	vor.u32 s22, v21;
	v24 =	vor.u32 s23, v23;
	v21 =	vor.u32 s24, v17  }
0x59: {  	v17 =	vmax.f32 v26, v18;
	v18 =	vmin.f32 v26, v18;
	v25 =	vor.u32 s20, v22  }
0x5a: {  	v23 =	vmin.f32 v19, v27;
	v22 =	vmax.f32 v19, v27;
	v19 =	vmax.f32 v20, v24;
	s20 =	sadd.s32 $0xFFFFFFF8, s20  }
0x5b: {  	v20 =	vmin.f32 v20, v24;
	v24 =	vmax.f32 v21, v25;
	v21 =	vmin.f32 v21, v25  }
0x5c: {  	v25 =	vmax.f32 v17, v22;
	v26 =	vmin.f32 v18, v23;
	v17 =	vmin.f32 v17, v22  }
0x5d: {  	v18 =	vmax.f32 v18, v23;
	v27 =	vmax.f32 v19, v24;
	v22 =	vmin.f32 v20, v21  }
0x5e: {  	v19 =	vmin.f32 v19, v24;
	v20 =	vmax.f32 v20, v21;
	v21 =	vmax.f32 v25, v27  }
0x5f: {  	v23 =	vmin.f32 v25, v27;
	v24 =	vmax.f32 v26, v22;
	v22 =	vmin.f32 v26, v22  }
0x60: {  	v25 =	vmax.f32 v18, v17;
	v17 =	vmin.f32 v18, v17;
	v18 =	vmax.f32 v20, v19  }
0x61: {  	v19 =	vmin.f32 v20, v19;
	v20 =	vmax.f32 v25, v18;
	v18 =	vmin.f32 v25, v18  }
0x62: {  	v25 =	vmax.f32 v17, v19;
	v17 =	vmin.f32 v17, v19;
	v10 =	vmax.f32 v10, v22  }
0x63: {  	v9 =	vmax.f32 v9, v21;
	v19 =	vmax.f32 v20, v23;
	v20 =	vmin.f32 v20, v23  }
0x64: {  	v23 =	vmax.f32 v24, v17;
	v17 =	vmin.f32 v24, v17;
	v24 =	vmax.f32 v25, v20  }
0x65: {  	v20 =	vmin.f32 v25, v20;
	v25 =	vmax.f32 v23, v18;
	v18 =	vmin.f32 v23, v18  }
0x66: {  	v13 =	vmax.f32 v13, v17;
	v14 =	vmax.f32 v14, v19;
	v23 =	vmax.f32 v25, v20  }
0x67: {  	v20 =	vmin.f32 v25, v20;
	v15 =	vmax.f32 v15, v18;
	v16 =	vmax.f32 v16, v24  }
0x68: {  	v11 =	vmax.f32 v11, v20;
	v12 =	vmax.f32 v12, v23;
	v17 =	vmin.f32 v13, v16  }
0x69: {  	v19 =	vmin.f32 v15, v14;
	v13 =	vmax.f32 v13, v16;
	v14 =	vmax.f32 v15, v14  }
0x6a: {  	v18 =	vmin.f32 v10, v12;
	v20 =	vmin.f32 v11, v9;
	v10 =	vmax.f32 v10, v12  }
0x6b: {  	v9 =	vmax.f32 v11, v9;
	v12 =	vmin.f32 v18, v19;
	v21 =	vmin.f32 v17, v20  }
0x6c: {  	v15 =	vmax.f32 v13, v9;
	v9 =	vmin.f32 v13, v9;
	v13 =	vmax.f32 v10, v14  }
0x6d: {  	v10 =	vmin.f32 v10, v14;
	v14 =	vmax.f32 v18, v19;
	v16 =	vmax.f32 v17, v20  }
0x6e: {  	v11 =	vmin.f32 v12, v21;
	v17 =	vmax.f32 v13, v15;
	v13 =	vmin.f32 v13, v15  }
0x6f: {  	v15 =	vmax.f32 v10, v9;
	v9 =	vmin.f32 v10, v9;
	v10 =	vmax.f32 v14, v16  }
0x70: {  	v14 =	vmin.f32 v14, v16;
	v12 =	vmax.f32 v12, v21;
	v16 =	vandn.u32 $0x3F, v17  }
0x71: {  	v17 =	vor.u32 s19, v0;
	v13 =	vandn.u32 $0x3F, v13;
	v18 =	vshll.u32 v16, $0x7  }
0x72: {  	v15 =	vandn.u32 $0x3F, v15;
	v19 =	vshll.u32 v13, $0x7;
	v18 =	vadd.s32 v17, v18  }
0x73: {  	v9 =	vandn.u32 $0x3F, v9;
	v20 =	vshll.u32 v15, $0x7;
	v19 =	vadd.s32 v17, v19  }
0x74: {  	v10 =	vandn.u32 $0x3F, v10;
	v21 =	vshll.u32 v9, $0x7;
	v20 =	vadd.s32 v17, v20  }
0x75: {  	s20 =	sor.u32 $0x10, s19;
	v58 =	vld [tilespmem:s14+$0xFFFFFD80];
	v14 =	vandn.u32 $0x3F, v14;
	v22 =	vshll.u32 v10, $0x7;
	v21 =	vadd.s32 v17, v21  }
0x76: {  	v32 =	vld.idx.msk [tilespmem:v6+s20+$0x0 ss:$0x1], $0xffff;
	v12 =	vandn.u32 $0x3F, v12;
	v23 =	vshll.u32 v14, $0x7;
	v22 =	vadd.s32 v17, v22  }
0x77: {  	v11 =	vandn.u32 $0x3F, v11;
	v24 =	vshll.u32 v12, $0x7;
	v23 =	vadd.s32 v17, v23;
	v18 =	vld.idx.msk [tilespmem:v18+s15+$0x0], $0xffff  }
0x78: {  	v25 =	vshll.u32 v11, $0x7;
	v24 =	vadd.s32 v17, v24;
	v19 =	vld.idx.msk [tilespmem:v19+s15+$0x0], $0xffff  }
0x79: {  	v17 =	vadd.s32 v17, v25;
	v20 =	vld.idx.msk [tilespmem:v20+s15+$0x0], $0xffff  }
0x7a: {  	v21 =	vld.idx.msk [tilespmem:v21+s15+$0x0], $0xffff  }
0x7b: {  	v22 =	vld.idx.msk [tilespmem:v22+s15+$0x0], $0xffff  }
0x7c: {  	v23 =	vld.idx.msk [tilespmem:v23+s15+$0x0], $0xffff  }
0x7d: {  	v24 =	vld.idx.msk [tilespmem:v24+s15+$0x0], $0xffff  }
0x7e: {  	v17 =	vld.idx.msk [tilespmem:v17+s15+$0x0], $0xffff;
	_ =	sdelay $0x2  }
0x7f: {  	v62 =	vand.u32 $0xFFFFFFC0, v58  }
0x80: {  	v53 =	vand.u32 $0xFFFFFFC0, v32;
	vm0 =	vge.f32 v18, v19;
	vm1 =	vge.f32 v20, v21  }
0x81: {  	vm11 =	vge.f32 v22, v23;
	vm12 =	vge.f32 v24, v17;
	v25 =	vsel vm0, v18, v19  }
0x82: {  	v26 =	vsel vm0, v16, v13;
	v18 =	vsel vm0, v19, v18;
	v13 =	vsel vm0, v13, v16  }
0x83: {  	v16 =	vsel vm1, v20, v21;
	v19 =	vsel vm1, v15, v9;
	v20 =	vsel vm1, v21, v20  }
0x84: {  	v9 =	vsel vm1, v9, v15;
	v15 =	vsel vm11, v22, v23;
	v21 =	vsel vm11, v10, v14  }
0x85: {  	v22 =	vsel vm11, v23, v22;
	v10 =	vsel vm11, v14, v10;
	v14 =	vsel vm12, v24, v17  }
0x86: {  	v23 =	vsel vm12, v12, v11;
	v17 =	vsel vm12, v17, v24;
	v11 =	vsel vm12, v11, v12  }
0x87: {  	vm13 =	vge.f32 v25, v16;
	vm14 =	vge.f32 v18, v20;
	vm15 =	vge.f32 v15, v14  }
0x88: {  	vm4 =	vge.f32 v22, v17;
	v12 =	vsel vm13, v25, v16;
	v24 =	vsel vm13, v26, v19  }
0x89: {  	v16 =	vsel vm13, v16, v25;
	v19 =	vsel vm13, v19, v26;
	v25 =	vsel vm14, v18, v20  }
0x8a: {  	v26 =	vsel vm14, v13, v9;
	v18 =	vsel vm14, v20, v18;
	v9 =	vsel vm14, v9, v13  }
0x8b: {  	v13 =	vsel vm15, v15, v14;
	v20 =	vsel vm15, v21, v23;
	v14 =	vsel vm15, v14, v15  }
0x8c: {  	v15 =	vsel vm15, v23, v21;
	v21 =	vsel vm4, v22, v17;
	v23 =	vsel vm4, v10, v11  }
0x8d: {  	v17 =	vsel vm4, v17, v22;
	v10 =	vsel vm4, v11, v10;
	vm5 =	vge.f32 v25, v16  }
0x8e: {  	vm6 =	vge.f32 v21, v14;
	vm7 =	vge.f32 v12, v13;
	vm8 =	vge.f32 v18, v17  }
0x8f: {  	v11 =	vsel vm5, v25, v16;
	v22 =	vsel vm5, v26, v19;
	v16 =	vsel vm5, v16, v25  }
0x90: {  	v19 =	vsel vm5, v19, v26;
	v25 =	vsel vm6, v21, v14;
	v26 =	vsel vm6, v23, v15  }
0x91: {  	v14 =	vsel vm6, v14, v21;
	v15 =	vsel vm6, v15, v23;
	v21 =	vsel vm7, v12, v13  }
0x92: {  	v23 =	vsel vm7, v24, v20;
	v12 =	vsel vm7, v13, v12;
	v13 =	vsel vm7, v20, v24  }
0x93: {  	v20 =	vsel vm8, v18, v17;
	v24 =	vsel vm8, v9, v10;
	v18 =	vsel vm8, v17, v18  }
0x94: {  	v17 =	vsel vm8, v10, v9;
	vm9 =	vge.f32 v11, v25;
	vm10 =	vge.f32 v16, v14  }
0x95: {  	v9 =	vsel vm9, v11, v25;
	v10 =	vsel vm9, v22, v26;
	v11 =	vsel vm9, v25, v11  }
0x96: {  	v22 =	vsel vm9, v26, v22;
	v25 =	vsel vm10, v16, v14;
	v26 =	vsel vm10, v19, v15  }
0x97: {  	v14 =	vsel vm10, v14, v16;
	v15 =	vsel vm10, v15, v19;
	vm11 =	vge.f32 v9, v12  }
0x98: {  	vm12 =	vge.f32 v20, v14;
	v16 =	vsel vm11, v9, v12;
	v19 =	vsel vm11, v10, v13  }
0x99: {  	v29 =	vld.idx.msk [tilespmem:v3+s20+$0x0 ss:$0x1], $0xffff;
	v9 =	vsel vm11, v12, v9;
	v10 =	vsel vm11, v13, v10;
	v13 =	vsel vm12, v20, v14  }
0x9a: {  	v27 =	vld.idx.msk [tilespmem:v1+s20+$0x0 ss:$0x1], $0xffff;
	v28 =	vsel vm12, v24, v15;
	v20 =	vsel vm12, v14, v20;
	vm13 =	vge.f32 v25, v9  }
0x9b: {  	v12 =	vld.idx.msk [tilespmem:v2+s20+$0x0 ss:$0x1], $0xffff;
	v24 =	vsel vm12, v15, v24;
	vm14 =	vge.f32 v13, v11;
	v14 =	vsel vm13, v25, v9  }
0x9c: {  	v15 =	vld.idx.msk [tilespmem:v4+s20+$0x0 ss:$0x1], $0xffff;
	v30 =	vsel vm13, v26, v10;
	v9 =	vsel vm13, v9, v25;
	v10 =	vsel vm13, v10, v26  }
0x9d: {  	s24 =	simm.s32 $0x35;
	v25 =	vld.idx.msk [tilespmem:v5+s20+$0x0 ss:$0x1], $0xffff;
	v26 =	vsel vm14, v13, v11;
	v31 =	vsel vm14, v28, v22;
	v33 =	vsel vm14, v11, v13  }
0x9e: {  	v22 =	vsel vm14, v22, v28;
	v11 =	vld.idx.msk [tilespmem:v7+s20+$0x0 ss:$0x1], $0xffff;
	v28 =	vor.u32 s24, v62;
	vm15 =	vge.f32 v26, v9  }
0x9f: {  	v13 =	vsel vm15, v26, v9;
	v52 =	vsel vm15, v31, v10;
	v26 =	vsel vm15, v9, v26  }
0xa0: {  	v9 =	vld.idx.msk [tilespmem:v8+s20+$0x0 ss:$0x1], $0xffff;
	v31 =	vsel vm15, v10, v31;
	v10 =	vor.u32 $0x3F, v27;
	v27 =	vand.u32 $0xFFFFFFC0, v29  }
0xa1: {  	v29 =	vor.u32 $0x3A, v53;
	v12 =	vand.u32 $0xFFFFFFC0, v12;
	v15 =	vand.u32 $0xFFFFFFC0, v15  }
0xa2: {  	s21 =	sor.u32 s17, s19;
	v27 =	vor.u32 $0x3D, v27;
	v12 =	vor.u32 $0x3E, v12;
	v15 =	vor.u32 $0x3C, v15  }
0xa3: {  	s21 =	sshll.u32 s21, $0x3;
	v25 =	vand.u32 $0xFFFFFFC0, v25;
	v11 =	vand.u32 $0xFFFFFFC0, v11;
	v54 =	vmax.f32 v10, v12  }
0xa4: {  	s22 =	sand.u32 $0x1C00, s21;
	v10 =	vmin.f32 v10, v12;
	v12 =	vmax.f32 v27, v15;
	v15 =	vmin.f32 v27, v15  }
0xa5: {  	s22 =	sor.u32 s19, s22;
	v25 =	vor.u32 $0x3B, v25;
	v11 =	vor.u32 $0x39, v11;
	v9 =	vand.u32 $0xFFFFFFC0, v9  }
0xa6: {  	[tilespmem:s22+$0x4000] =	vst v21;
	v56 =	vmax.f32 v10, v15;
	v15 =	vmin.f32 v10, v15;
	v9 =	vor.u32 $0x38, v9  }
0xa7: {  	[tilespmem:s22+$0x6000] =	vst v23;
	v27 =	vmax.f32 v25, v29;
	v25 =	vmin.f32 v25, v29;
	v55 =	vmax.f32 v11, v9  }
0xa8: {  	[tilespmem:s22+$0x4080] =	vst v16;
	v9 =	vmin.f32 v11, v9;
	v11 =	vmax.f32 v54, v12;
	v12 =	vmin.f32 v54, v12  }
0xa9: {  	[tilespmem:s22+$0x6080] =	vst v19;
	v21 =	vmax.f32 v27, v55;
	v10 =	vmin.f32 v27, v55;
	v23 =	vmax.f32 v25, v9  }
0xaa: {  	v57 =	vld [tilespmem:s14+$0xFFFFFD00];
	[tilespmem:s22+$0x4100] =	vst v14;
	v9 =	vmin.f32 v25, v9;
	v25 =	vmax.f32 v56, v12;
	v12 =	vmin.f32 v56, v12  }
0xab: {  	v61 =	vld [tilespmem:s14+$0xFFFFFF80];
	[tilespmem:s22+$0x6100] =	vst v30;
	v16 =	vmax.f32 v23, v10;
	v23 =	vmin.f32 v23, v10;
	v10 =	vmax.f32 v11, v21  }
0xac: {  	[tilespmem:s22+$0x4280] =	vst v33;
	v27 =	vld [tilespmem:s14+$0xFFFFFC80];
	v19 =	vmin.f32 v11, v21;
	v21 =	vmax.f32 v15, v9;
	v9 =	vmin.f32 v15, v9  }
0xad: {  	[tilespmem:s22+$0x6280] =	vst v22;
	v14 =	vmax.f32 v25, v16;
	v16 =	vmin.f32 v25, v16;
	v25 =	vld [tilespmem:s14+$0xFFFFFE00];
	v59 =	vmax.f32 v12, v23  }
0xae: {  	[tilespmem:s22+$0x4180] =	vst v13;
	v12 =	vmin.f32 v12, v23;
	v23 =	vld [tilespmem:s14+$0xFFFFFE80];
	v11 =	vmax.f32 v14, v19;
	v13 =	vmin.f32 v14, v19  }
0xaf: {  	[tilespmem:s22+$0x6180] =	vst v52;
	v14 =	vmax.f32 v21, v12;
	v12 =	vmin.f32 v21, v12;
	v19 =	vld [tilespmem:s14+$0xFFFFFF00];
	v15 =	vmax.f32 v59, v13  }
0xb0: {  	s21 =	sor.u32 s19, s21;
	[tilespmem:s22+$0x4200] =	vst v26;
	v21 =	vmin.f32 v59, v13;
	v60 =	vmax.f32 v14, v16;
	v16 =	vmin.f32 v14, v16  }
0xb1: {  	s23 =	simm.s32 $0x37;
	s25 =	sor.u32 $0x300, s21;
	[tilespmem:s22+$0x6200] =	vst v31;
	v13 =	vmax.f32 v60, v21;
	v14 =	vmin.f32 v60, v21;
	v21 =	vld [tilespmem:s14+$0x0];
	v26 =	vand.u32 $0xFFFFFFC0, v27  }
0xb2: {  	s31 =	simm.s32 $0x36;
	[tilespmem:s25+$0x4000] =	vst v20;
	v20 =	vand.u32 $0xFFFFFFC0, v61;
	v27 =	vand.u32 $0xFFFFFFC0, v57;
	v26 =	vor.u32 s23, v26  }
0xb3: {  	s26 =	simm.s32 $0x34;
	s21 =	sor.u32 $0x380, s21;
	[tilespmem:s25+$0x6000] =	vst v24;
	v27 =	vor.u32 s31, v27;
	v25 =	vand.u32 $0xFFFFFFC0, v25;
	v23 =	vand.u32 $0xFFFFFFC0, v23  }
0xb4: {  	s28 =	simm.s32 $0x33;
	s29 =	simm.s32 $0x32;
	[tilespmem:s21+$0x4000] =	vst v18;
	v18 =	vmax.f32 v26, v27;
	v22 =	vand.u32 $0xFFFFFFC0, v19;
	v63 =	vor.u32 s26, v25  }
0xb5: {  	s30 =	simm.s32 $0x31;
	v19 =	vor.u32 s28, v23;
	v22 =	vor.u32 s29, v22;
	v24 =	vmin.f32 v28, v63  }
0xb6: {  	s31 =	simm.s32 $0x30;
	v23 =	vand.u32 $0xFFFFFFC0, v21;
	v21 =	vor.u32 s30, v20;
	v20 =	vmin.f32 v26, v27  }
0xb7: {  	s22 =	smov.u32 s14;
	[tilespmem:s21+$0x6000] =	vst v17;
	s21 =	simm.s32 $0x28;
	v17 =	vmax.f32 v19, v22;
	v25 =	vor.u32 s31, v23;
	v23 =	vmax.f32 v28, v63  }
.LBB2_7:
0xb8: {  	p1 =	sne.s32 s21, $0x0;
	v19 =	vmin.f32 v19, v22;
	v22 =	vmax.f32 v21, v25;
	v21 =	vmin.f32 v21, v25  }
0xb9: {  	v25 =	vmax.f32 v18, v23;
	v26 =	vmin.f32 v20, v24;
	v27 =	vmax.f32 v17, v22  }
0xba: {  	v18 =	vmin.f32 v18, v23;
	v20 =	vmax.f32 v20, v24;
	v23 =	vmin.f32 v19, v21  }
0xbb: {  	v17 =	vmin.f32 v17, v22;
	v19 =	vmax.f32 v19, v21;
	v21 =	vmax.f32 v25, v27  }
0xbc: {  	v22 =	vmin.f32 v25, v27;
	v24 =	vmax.f32 v26, v23;
	v23 =	vmin.f32 v26, v23  }
0xbd: {  	v25 =	vmax.f32 v20, v18;
	v18 =	vmin.f32 v20, v18;
	v20 =	vmax.f32 v19, v17  }
0xbe: {  	v17 =	vmin.f32 v19, v17;
	v19 =	vmax.f32 v25, v20;
	v20 =	vmin.f32 v25, v20  }
0xbf: {  	v25 =	vmax.f32 v18, v17;
	v17 =	vmin.f32 v18, v17;
	v18 =	vmax.f32 v19, v22  }
0xc0: {  	v19 =	vmin.f32 v19, v22;
	v22 =	vmax.f32 v24, v17;
	v17 =	vmin.f32 v24, v17  }
0xc1: {  	v24 =	vmax.f32 v25, v19;
	v19 =	vmin.f32 v25, v19;
	v25 =	vmax.f32 v22, v20  }
0xc2: {  	v20 =	vmin.f32 v22, v20;
	v22 =	vmax.f32 v25, v19;
	v19 =	vmin.f32 v25, v19  }
0xc3: {  	s22 =	sadd.s32 $0x400, s22;
	v10 =	vmax.f32 v10, v23;
	v9 =	vmax.f32 v9, v21;
	v11 =	vmax.f32 v11, v17  }
0xc4: {  	v12 =	vmax.f32 v12, v18;
	v15 =	vmax.f32 v15, v20;
	v16 =	vmax.f32 v16, v24;
	v17 =	vld [tilespmem:s22+$0xFFFFFC80]  }
0xc5: {  	v13 =	vmax.f32 v13, v19;
	v14 =	vmax.f32 v14, v22;
	v19 =	vmin.f32 v11, v16;
	v18 =	vld [tilespmem:s22+$0xFFFFFD00]  }
0xc6: {  	v22 =	vmin.f32 v15, v12;
	v21 =	vmin.f32 v10, v14;
	v23 =	vmin.f32 v13, v9;
	v20 =	vld [tilespmem:s22+$0xFFFFFD80]  }
0xc7: {  	v10 =	vmax.f32 v10, v14;
	v25 =	vmin.f32 v21, v22;
	v26 =	vmin.f32 v19, v23;
	v24 =	vld [tilespmem:s22+$0xFFFFFE00]  }
0xc8: {  	v11 =	vmax.f32 v11, v16;
	v13 =	vmax.f32 v13, v9;
	v9 =	vmin.f32 v25, v26;
	v27 =	vld [tilespmem:s22+$0xFFFFFE80]  }
0xc9: {  	v12 =	vmax.f32 v15, v12;
	v14 =	vmax.f32 v11, v13;
	v13 =	vmin.f32 v11, v13;
	v28 =	vld [tilespmem:s22+$0xFFFFFF00]  }
0xca: {  	v11 =	vmax.f32 v10, v12;
	v12 =	vmin.f32 v10, v12;
	v16 =	vmax.f32 v21, v22;
	v29 =	vld [tilespmem:s22+$0xFFFFFF80]  }
0xcb: {  	v19 =	vmax.f32 v19, v23;
	v10 =	vmax.f32 v11, v14;
	v11 =	vmin.f32 v11, v14;
	v21 =	vld [tilespmem:s22+$0x0]  }
0xcc: {  	v15 =	vmax.f32 v12, v13;
	v13 =	vmin.f32 v12, v13;
	v14 =	vmax.f32 v16, v19  }
0xcd: {  	v16 =	vmin.f32 v16, v19;
	v12 =	vmax.f32 v25, v26  }
0xce: {  	v17 =	vand.u32 $0xFFFFFFC0, v17;
	v18 =	vand.u32 $0xFFFFFFC0, v18;
	v19 =	vand.u32 $0xFFFFFFC0, v20  }
0xcf: {  	s23 =	sadd.s32 $0x7, s21;
	s24 =	sadd.s32 $0x5, s21;
	v20 =	vand.u32 $0xFFFFFFC0, v24;
	v22 =	vand.u32 $0xFFFFFFC0, v27;
	v23 =	vand.u32 $0xFFFFFFC0, v28  }
.Ltmp1:
0xd0: {  	s25 =	sadd.s32 $0x4, s21;
	v17 =	vor.u32 s23, v17;
	s23 =	sadd.s32 $0x6, s21;
	v24 =	vand.u32 $0xFFFFFFC0, v29;
	v25 =	vand.u32 $0xFFFFFFC0, v21;
	(pc) =	sbr.rel @p1 .LBB2_7-.Ltmp1, $4  }
0xd1: {  	v26 =	vor.u32 s23, v18;
	s23 =	sadd.s32 $0x3, s21;
	v27 =	vor.u32 s24, v19;
	s24 =	sadd.s32 $0x2, s21;
	v28 =	vor.u32 s25, v20;
	s25 =	sadd.s32 $0x1, s21  }
0xd2: {  	v19 =	vor.u32 s23, v22;
	v22 =	vor.u32 s24, v23;
	v21 =	vor.u32 s25, v24  }
0xd3: {  	v18 =	vmax.f32 v17, v26;
	v20 =	vmin.f32 v17, v26;
	v25 =	vor.u32 s21, v25  }
0xd4: {  	v23 =	vmax.f32 v27, v28;
	v24 =	vmin.f32 v27, v28;
	v17 =	vmax.f32 v19, v22;
	s21 =	sadd.s32 $0xFFFFFFF8, s21  }
0xd5: {  	v19 =	vmin.f32 v19, v22;
	v56 =	vmax.f32 v21, v25;
	v57 =	vmin.f32 v21, v25  }
0xd6: {  	v58 =	vmax.f32 v18, v23;
	v26 =	vmin.f32 v20, v24;
	v59 =	vmin.f32 v18, v23  }
0xd7: {  	v60 =	vmax.f32 v20, v24;
	v51 =	vor.u32 s20, v0;
	v27 =	vmax.f32 v17, v56  }
0xd8: {  	v61 =	vmin.f32 v19, v57;
	v62 =	vmin.f32 v17, v56;
	v19 =	vmax.f32 v19, v57  }
0xd9: {  	v30 =	vmax.f32 v60, v59;
	v18 =	vmin.f32 v60, v59;
	v63 =	vmax.f32 v58, v27  }
0xda: {  	v28 =	vmin.f32 v58, v27;
	v29 =	vmax.f32 v26, v61;
	v31 =	vmax.f32 v19, v62  }
0xdb: {  	v23 =	vmin.f32 v26, v61;
	v17 =	vmin.f32 v19, v62;
	v32 =	vmax.f32 v30, v31  }
0xdc: {  	v20 =	vmin.f32 v30, v31;
	v33 =	vmax.f32 v18, v17;
	v17 =	vmin.f32 v18, v17  }
0xdd: {  	v10 =	vmax.f32 v10, v23;
	v9 =	vmax.f32 v9, v63;
	v34 =	vmax.f32 v32, v28  }
0xde: {  	v19 =	vmin.f32 v32, v28;
	v35 =	vmax.f32 v29, v17;
	v17 =	vmin.f32 v29, v17  }
0xdf: {  	v36 =	vmax.f32 v33, v19;
	v19 =	vmin.f32 v33, v19;
	v37 =	vmax.f32 v35, v20  }
0xe0: {  	v20 =	vmin.f32 v35, v20;
	v11 =	vmax.f32 v11, v17;
	v12 =	vmax.f32 v12, v34  }
0xe1: {  	v38 =	vmax.f32 v37, v19;
	v19 =	vmin.f32 v37, v19;
	v15 =	vmax.f32 v15, v20  }
0xe2: {  	v16 =	vmax.f32 v16, v36;
	v13 =	vmax.f32 v13, v19;
	v14 =	vmax.f32 v14, v38  }
0xe3: {  	v17 =	vmin.f32 v11, v16;
	v40 =	vmin.f32 v15, v12;
	v11 =	vmax.f32 v11, v16  }
0xe4: {  	v12 =	vmax.f32 v15, v12;
	v39 =	vmin.f32 v10, v14;
	v41 =	vmin.f32 v13, v9  }
0xe5: {  	v10 =	vmax.f32 v10, v14;
	v9 =	vmax.f32 v13, v9;
	v42 =	vmin.f32 v39, v40  }
0xe6: {  	v43 =	vmin.f32 v17, v41;
	v45 =	vmax.f32 v11, v9;
	v9 =	vmin.f32 v11, v9  }
0xe7: {  	v11 =	vmax.f32 v10, v12;
	v10 =	vmin.f32 v10, v12;
	v46 =	vmax.f32 v39, v40  }
0xe8: {  	v47 =	vmax.f32 v17, v41;
	v44 =	vmin.f32 v42, v43;
	v48 =	vmax.f32 v11, v45  }
0xe9: {  	v11 =	vmin.f32 v11, v45;
	v49 =	vmax.f32 v10, v9;
	v9 =	vmin.f32 v10, v9  }
0xea: {  	v10 =	vmax.f32 v46, v47;
	v12 =	vmin.f32 v46, v47;
	v50 =	vandn.u32 $0x3F, v48  }
0xeb: {  	v14 =	vmax.f32 v42, v43;
	v11 =	vandn.u32 $0x3F, v11;
	v52 =	vshll.u32 v50, $0x7  }
0xec: {  	v15 =	vandn.u32 $0x3F, v49;
	v53 =	vshll.u32 v11, $0x7;
	v18 =	vadd.s32 v51, v52  }
0xed: {  	v9 =	vandn.u32 $0x3F, v9;
	v54 =	vshll.u32 v15, $0x7;
	v19 =	vadd.s32 v51, v53  }
0xee: {  	v10 =	vandn.u32 $0x3F, v10;
	v55 =	vshll.u32 v9, $0x7;
	v20 =	vadd.s32 v51, v54  }
0xef: {  	v12 =	vandn.u32 $0x3F, v12;
	v56 =	vshll.u32 v10, $0x7;
	v21 =	vadd.s32 v51, v55  }
0xf0: {  	v14 =	vandn.u32 $0x3F, v14;
	v57 =	vshll.u32 v12, $0x7;
	v22 =	vadd.s32 v51, v56  }
0xf1: {  	v13 =	vandn.u32 $0x3F, v44;
	v58 =	vshll.u32 v14, $0x7;
	v23 =	vadd.s32 v51, v57;
	v18 =	vld.idx.msk [tilespmem:v18+s15+$0x0], $0xffff  }
0xf2: {  	v59 =	vshll.u32 v13, $0x7;
	v24 =	vadd.s32 v51, v58;
	v19 =	vld.idx.msk [tilespmem:v19+s15+$0x0], $0xffff  }
0xf3: {  	v17 =	vadd.s32 v51, v59;
	v20 =	vld.idx.msk [tilespmem:v20+s15+$0x0], $0xffff  }
0xf4: {  	v21 =	vld.idx.msk [tilespmem:v21+s15+$0x0], $0xffff  }
0xf5: {  	v22 =	vld.idx.msk [tilespmem:v22+s15+$0x0], $0xffff  }
0xf6: {  	v23 =	vld.idx.msk [tilespmem:v23+s15+$0x0], $0xffff  }
0xf7: {  	v24 =	vld.idx.msk [tilespmem:v24+s15+$0x0], $0xffff  }
0xf8: {  	v17 =	vld.idx.msk [tilespmem:v17+s15+$0x0], $0xffff;
	_ =	sdelay $0x3  }
0xf9: {  	vm0 =	vge.f32 v18, v19;
	vm1 =	vge.f32 v20, v21  }
0xfa: {  	vm14 =	vge.f32 v22, v23;
	vm15 =	vge.f32 v24, v17;
	v60 =	vsel vm0, v18, v19  }
0xfb: {  	v61 =	vsel vm0, v50, v11;
	v18 =	vsel vm0, v19, v18;
	v11 =	vsel vm0, v11, v50  }
0xfc: {  	v62 =	vsel vm1, v20, v21;
	v63 =	vsel vm1, v15, v9;
	v20 =	vsel vm1, v21, v20  }
0xfd: {  	v9 =	vsel vm1, v9, v15;
	v28 =	vsel vm14, v22, v23;
	v29 =	vsel vm14, v10, v12  }
0xfe: {  	v22 =	vsel vm14, v23, v22;
	v10 =	vsel vm14, v12, v10;
	v30 =	vsel vm15, v24, v17  }
0xff: {  	v31 =	vsel vm15, v14, v13;
	v17 =	vsel vm15, v17, v24;
	v13 =	vsel vm15, v13, v14  }
0x100: {  	vm4 =	vge.f32 v60, v62;
	vm5 =	vge.f32 v18, v20;
	vm6 =	vge.f32 v28, v30  }
0x101: {  	vm7 =	vge.f32 v22, v17;
	v32 =	vsel vm4, v60, v62;
	v33 =	vsel vm4, v61, v63  }
0x102: {  	v16 =	vsel vm4, v62, v60;
	v19 =	vsel vm4, v63, v61;
	v34 =	vsel vm5, v18, v20  }
0x103: {  	v35 =	vsel vm5, v11, v9;
	v18 =	vsel vm5, v20, v18;
	v9 =	vsel vm5, v9, v11  }
0x104: {  	v11 =	vsel vm6, v28, v30;
	v36 =	vsel vm6, v29, v31;
	v12 =	vsel vm6, v30, v28  }
0x105: {  	v37 =	vsel vm6, v31, v29;
	v38 =	vsel vm7, v22, v17;
	v39 =	vsel vm7, v10, v13  }
0x106: {  	v17 =	vsel vm7, v17, v22;
	v10 =	vsel vm7, v13, v10;
	vm8 =	vge.f32 v34, v16  }
0x107: {  	vm9 =	vge.f32 v38, v12;
	vm10 =	vge.f32 v32, v11;
	vm11 =	vge.f32 v18, v17  }
0x108: {  	v40 =	vsel vm8, v34, v16;
	v41 =	vsel vm8, v35, v19;
	v16 =	vsel vm8, v16, v34  }
0x109: {  	v19 =	vsel vm8, v19, v35;
	v42 =	vsel vm9, v38, v12;
	v43 =	vsel vm9, v39, v37  }
0x10a: {  	v12 =	vsel vm9, v12, v38;
	v15 =	vsel vm9, v37, v39;
	v44 =	vsel vm10, v32, v11  }
0x10b: {  	s21 =	sor.u32 s17, s20;
	v45 =	vsel vm10, v33, v36;
	v11 =	vsel vm10, v11, v32;
	v46 =	vsel vm10, v36, v33  }
0x10c: {  	s21 =	sshll.u32 s21, $0x3;
	v47 =	vsel vm11, v18, v17;
	v48 =	vsel vm11, v9, v10;
	vm12 =	vge.f32 v40, v42  }
0x10d: {  	s22 =	sand.u32 $0x1C00, s21;
	vm2 =	vge.f32 v16, v12;
	v49 =	vsel vm12, v40, v42;
	v13 =	vsel vm12, v42, v40  }
0x10e: {  	s30 =	sor.u32 s20, s22;
	v50 =	vsel vm12, v41, v43;
	v22 =	vsel vm12, v43, v41;
	v51 =	vsel vm2, v16, v12  }
0x10f: {  	[tilespmem:s30+$0x4000] =	vst v44;
	v12 =	vsel vm2, v12, v16;
	v52 =	vsel vm2, v19, v15;
	vm3 =	vge.f32 v49, v11  }
0x110: {  	[tilespmem:s30+$0x6000] =	vst v45;
	v15 =	vsel vm2, v15, v19;
	vm13 =	vge.f32 v47, v12;
	v53 =	vsel vm3, v49, v11  }
0x111: {  	v54 =	vsel vm3, v50, v46;
	v11 =	vsel vm3, v11, v49;
	v55 =	vsel vm13, v47, v12;
	[tilespmem:s30+$0x4080] =	vst v53  }
0x112: {  	v14 =	vsel vm3, v46, v50;
	v63 =	vsel vm13, v15, v48;
	vm14 =	vge.f32 v51, v11;
	[tilespmem:s30+$0x6080] =	vst v54  }
0x113: {  	v58 =	vsel vm13, v48, v15;
	vm15 =	vge.f32 v55, v13;
	[tilespmem:s30+$0x6300] =	vst v63;
	v56 =	vsel vm14, v51, v11  }
0x114: {  	v11 =	vsel vm14, v11, v51;
	v57 =	vsel vm15, v55, v13;
	v25 =	vsel vm14, v52, v14;
	[tilespmem:s30+$0x4100] =	vst v56  }
0x115: {  	v62 =	vsel vm15, v22, v58;
	vm4 =	vge.f32 v57, v11;
	[tilespmem:s30+$0x6100] =	vst v25  }
0x116: {  	v14 =	vsel vm14, v14, v52;
	v59 =	vsel vm15, v58, v22;
	[tilespmem:s30+$0x6280] =	vst v62;
	v60 =	vsel vm4, v57, v11  }
0x117: {  	v61 =	vsel vm4, v59, v14;
	[tilespmem:s30+$0x4180] =	vst v60  }
0x118: {  	v11 =	vsel vm4, v11, v57;
	[tilespmem:s30+$0x6180] =	vst v61  }
0x119: {  	p1 =	slt.u32 s18, $0x6;
	v14 =	vsel vm4, v14, v59;
	[tilespmem:s30+$0x4200] =	vst v11  }
.Ltmp2:
0x11a: {  	v11 =	vsel vm15, v13, v55;
	[tilespmem:s30+$0x6200] =	vst v14;
	(pc) =	sbr.rel @p1 .LBB2_4-.Ltmp2, $4  }
0x11b: {  	s19 =	sor.u32 s21, s19;
	[tilespmem:s30+$0x4280] =	vst v11;
	v11 =	vsel vm13, v12, v47  }
0x11c: {  	s19 =	sor.u32 $0x310, s19;
	[tilespmem:s30+$0x4300] =	vst v11;
	v11 =	vsel vm11, v17, v18  }
0x11d: {  	s31 =	sadd.s32 $0x2, s18;
	v9 =	vsel vm11, v10, v9;
	[tilespmem:s19+$0x4000] =	vst v11  }
0x11e: {  	s16 =	sadd.s32 $0x20, s16;
	s14 =	sadd.s32 $0x20, s14;
	s18 =	smov.u32 s31;
	[tilespmem:s19+$0x6000] =	vst v9  }
0x11f: {  	p1 =	seq.s32 s13, $0x8  }
.Ltmp3:
0x120: {  	_ = 	snop;
	(pc) =	sbr.rel @!p1 .LBB2_3-.Ltmp3, $2  }
0x121: {  	_ =	sdelay $0x2  }
0x122: {  	p0 =	por !p0, !p0  }
0x123: {  	[hbm4b:s4+s2] =	stream.linear.scatter [tilespmem:s9], [sflag:$0x3], $0x2000, $0x38;
	[tilespmem:$0x8000] =	vst v63  }
0x124: {  	s12 =	sadd.s32 $0x1, s12;
	_ =	swait.ge [sflag:s10], $0x2000  }
0x125: {  	p0 =	sne.s32 s12, s6;
	[sflag:s10] =	ssyncset.done $0x0  }
.Ltmp4:
0x126: {  	[sflag:s10] =	ssyncadd.s32 $0xFFFFE000;
	(pc) =	sbr.rel @p0 .LBB2_1-.Ltmp4, $4  }
0x127: {  	[hbm4b:s5+s2] =	stream.linear.scatter [tilespmem:s11], [sflag:$0x3], $0x2000, $0x38;
	[tilespmem:$0x8000] =	vst v63  }
0x128: {  	_ =	swait.ge [sflag:s10], $0x2000  }
0x129: {  	[sflag:s10] =	ssyncset.done $0x0  }
0x12a: {  	[sflag:s10] =	ssyncadd.s32 $0xFFFFE000  }
0x12b: {  	_ =	sfence.sel $0x180000  }
0x12c: {  	[bflag:$0x0] =	sbarrier.arrive $0xFFFF  }
0x12d: {  	p0 =	sne.s32 s1, $0x0;
	_ =	strace $0x90000047  }
0x12e: {  	s0 =	sadd.s32 @!p0 $0x100000, s0;
	[bflag:$0x2] =	sbarrier.arrive $0xFFFF  }
0x12f: {  	[sflag:s0] =	ssyncadd.tile.s32 @!p0 $0x1;
	_ =	shalt  }
.Lfunc_end2:
_tile_overlayer_lowered:
.L_overlay_start_2:
0x130: {  	(tag) =	ssettag $0x2  }
0x131: {  	s0 =	rddreg [dreg:$0x0];
	s2 =	stileid.u32  }
0x132: {  	s1 =	rddreg [dreg:$0x1];
	p0 =	sne.s32 s2, $0x0  }
0x133: {  	s3 =	rddreg [dreg:$0x2];
	[bflag:$0x3] =	sbarrier.arrive $0xFFFF;
	s2 =	simm.s32 @!p0 $0x1C03  }
0x134: {  	[timem:s3], [sflag:s2] =	dma.local @!p0 [hbm:s0], s1  }
0x135: {  	s0 =	simm.s32 @!p0 $0x3  }
0x136: {  	_ =	swait.ge @!p0 [sflag:s0], s1  }
0x137: {  	s1 =	ssub.s32 @!p0 $0x0, s1;
	[sflag:s0] =	ssyncset.done @!p0 $0x0  }
0x138: {  	[sflag:s0] =	ssyncadd.s32 @!p0 s1  }
0x139: {  	[bflag:$0x3] =	sbarrier.arrive $0xFFFF  }
0x13a: {  	_ =	shalt  }

</sc_bundles>
